<compile_context>
chip_gen: v7x
topology: tpu7x:2x2x1
jax: 0.10.2.dev20260603
libtpu: 0.0.44.dev20260713+nightly
codegen_flags: <defaults>
</compile_context>

<pallas_src>
import jax
import jax.numpy as jnp
from jax import lax
from jax.experimental import pallas as pl
from jax.experimental.pallas import tpu as pltpu
from jax.experimental.pallas import tpu_sc as plsc

B = 16384
K = 50
V = 1000000
D = 32
H = 250

NC = 2
NS = 16
NW = NC * NS
BPW = B // NW
RB = 2
RIDX = 2 * K + 4
NR = BPW // RB
NBUF = 4
NI = NR // NBUF
KP = 56


def _sc_stage_body(x_hbm, w_hbm, idx_o, w_o, xbuf, wbuf, idx_buf, w_buf2):
  wid = lax.axis_index("s") * NC + lax.axis_index("c")
  base_b = wid * BPW
  pltpu.sync_copy(x_hbm.at[pl.ds(0, K), pl.ds(base_b, BPW)], xbuf)
  pltpu.sync_copy(w_hbm.at[pl.ds(0, K), pl.ds(base_b, BPW)], wbuf)

  iota = lax.iota(jnp.int32, 16)
  pad_base = iota * 1021 + wid * 37

  def zero_pad(r, _):
    idx_buf[r, pl.ds(RIDX - 16, 16)] = pad_base + r * 53
    return 0

  lax.fori_loop(0, NR, zero_pad, 0)
  colpar = (iota & 1) * K

  def fill_k(k, _):
    for b16 in range(BPW // 16):
      rows = 8 * b16 + (iota >> 1)
      cols = colpar + k
      v = xbuf[k, pl.ds(16 * b16, 16)]
      p = ((v & ~(TRB - 1)) | ((v & (TRB // 4 - 1)) << 2)
           | ((v & (TRB - 1)) >> 11))
      plsc.store_scatter(idx_buf, [rows, cols], p)
      w = wbuf[k, pl.ds(16 * b16, 16)]
      plsc.store_scatter(w_buf2, [rows, cols], w)
    return 0

  lax.fori_loop(0, K, fill_k, 0)

  pltpu.sync_copy(idx_buf, idx_o.at[pl.ds(wid * NR, NR), :])
  pltpu.sync_copy(w_buf2, w_o.at[pl.ds(wid * NR, NR), :])


@jax.jit
def _sc_stage(xt_pad, wt_pad):
  mesh = plsc.VectorSubcoreMesh(core_axis_name="c", subcore_axis_name="s",
                                num_cores=NC, num_subcores=NS)
  f = pl.kernel(
      _sc_stage_body,
      out_type=(jax.ShapeDtypeStruct((NW * NR, RIDX), jnp.int32),
                jax.ShapeDtypeStruct((NW * NR, RIDX), jnp.float32)),
      mesh=mesh,
      compiler_params=pltpu.CompilerParams(use_tc_tiling_on_sc=False,
                                           needs_layout_passes=False),
      scratch_types=[
          pltpu.VMEM((K, BPW), jnp.int32),
          pltpu.VMEM((K, BPW), jnp.float32),
          pltpu.VMEM((NR, RIDX), jnp.int32),
          pltpu.VMEM((NR, RIDX), jnp.float32),
      ],
  )
  return f(xt_pad, wt_pad)


def _sc_bag_body(emb_hbm, x_hbm, w_hbm, out_hbm,
                 idx_all, w_all, rows0, rows1, rows2, rows3, out_buf,
                 sem0, sem1, sem2, sem3, sem_i, sem_w):
  wid = lax.axis_index("s") * NC + lax.axis_index("c")
  base_b = wid * BPW
  bufs = (rows0, rows1, rows2, rows3)
  sems = (sem0, sem1, sem2, sem3)

  cp_i = pltpu.async_copy(x_hbm.at[pl.ds(wid * NR, NR), :], idx_all, sem_i)
  cp_w = pltpu.async_copy(w_hbm.at[pl.ds(wid * NR, NR), :], w_all, sem_w)
  cp_i.wait()

  def start_gather(r, buf, sem):
    pltpu.async_copy(emb_hbm.at[idx_all.at[r]], buf, sem)

  for s in range(NBUF):
    start_gather(s, bufs[s], sems[s])
  cp_w.wait()

  lane_consts = [jnp.full((16,), lane, jnp.int32) for lane in range(16)]

  def lane_bcast(vec, lane):
    return lax.gather(
        vec, lane_consts[lane][:, None],
        lax.GatherDimensionNumbers(offset_dims=(), collapsed_slice_dims=(0,),
                                   start_index_map=(0,)),
        (1,), mode=lax.GatherScatterMode.PROMISE_IN_BOUNDS)

  def compute_round(r, rows):
    for j in range(RB):
      b_loc = r * RB + j
      cb = j * K
      wvecs = [w_all[r, pl.ds(cb + off, 16)] for off in (0, 16, 32, 34)]
      acc = [[jnp.zeros((16,), jnp.float32) for _ in range(2)]
             for _ in range(5)]
      for k in range(K):
        g = k % 5
        row = j * K + k
        if k < 48:
          wv = lane_bcast(wvecs[k // 16], k % 16)
        else:
          wv = lane_bcast(wvecs[3], k - 34)
        acc[g][0] = acc[g][0] + wv * rows[row, pl.ds(0, 16)]
        acc[g][1] = acc[g][1] + wv * rows[row, pl.ds(16, 16)]
      lo = ((acc[0][0] + acc[1][0]) + (acc[2][0] + acc[3][0])) + acc[4][0]
      hi = ((acc[0][1] + acc[1][1]) + (acc[2][1] + acc[3][1])) + acc[4][1]
      out_buf[b_loc, pl.ds(0, 16)] = lo
      out_buf[b_loc, pl.ds(16, 16)] = hi

  def loop_body(i, _):
    r0 = i * NBUF
    for s in range(NBUF):
      r = r0 + s
      pltpu.make_async_copy(emb_hbm.at[idx_all.at[r]], bufs[s],
                            sems[s]).wait()
      compute_round(r, bufs[s])

      @pl.when(r + NBUF < NR)
      def _():
        start_gather(r + NBUF, bufs[s], sems[s])

    return 0

  lax.fori_loop(0, NI, loop_body, 0)

  pltpu.sync_copy(out_buf, out_hbm.at[pl.ds(base_b, BPW), :])


@jax.jit
def _sc_bag(emb, x2, w_flat):
  mesh = plsc.VectorSubcoreMesh(core_axis_name="c", subcore_axis_name="s",
                                num_cores=NC, num_subcores=NS)
  f = pl.kernel(
      _sc_bag_body,
      out_type=jax.ShapeDtypeStruct((B, D), jnp.float32),
      mesh=mesh,
      compiler_params=pltpu.CompilerParams(use_tc_tiling_on_sc=False),
      scratch_types=[
          pltpu.VMEM((NR, RIDX), jnp.int32),
          pltpu.VMEM((NR, RIDX), jnp.float32),
          pltpu.VMEM((RIDX, D), jnp.float32),
          pltpu.VMEM((RIDX, D), jnp.float32),
          pltpu.VMEM((RIDX, D), jnp.float32),
          pltpu.VMEM((RIDX, D), jnp.float32),
          pltpu.VMEM((BPW, D), jnp.float32),
          pltpu.SemaphoreType.DMA,
          pltpu.SemaphoreType.DMA,
          pltpu.SemaphoreType.DMA,
          pltpu.SemaphoreType.DMA,
          pltpu.SemaphoreType.DMA,
          pltpu.SemaphoreType.DMA,
      ],
  )
  return f(emb, x2, w_flat)


TRB = 8192
TRBM = 3
NTRB = (V + TRB - 1) // TRB
VP = NTRB * TRB


def _tr_body(in_ref, out_ref):
  for m in range(TRBM):
    parts = [in_ref[:, pl.ds(m * TRB + a * (TRB // 4), TRB // 4)]
             for a in range(4)]
    out_ref[pl.ds(m * (TRB // 4), TRB // 4), :] = (
        jnp.concatenate(parts, axis=0).T)


@jax.jit
def _relayout(emb_t):
  assert NTRB % TRBM == 0
  return pl.pallas_call(
      _tr_body,
      grid=(NTRB // TRBM,),
      in_specs=[pl.BlockSpec((D, TRBM * TRB), lambda i: (0, i))],
      out_specs=pl.BlockSpec((TRBM * TRB // 4, 4 * D), lambda i: (i, 0)),
      out_shape=jax.ShapeDtypeStruct((VP // 4, 4 * D), jnp.float32),
  )(emb_t)


def _mlp_body(mean_ref, w1_ref, b1_ref, w2_ref, b2_ref, out_ref):
  w1 = w1_ref[:] * (1.0 / K)
  h = jnp.dot(mean_ref[:], w1, preferred_element_type=jnp.float32)
  h = jnp.maximum(h + b1_ref[:], 0.0)
  out_ref[:] = jnp.dot(h, w2_ref[:], preferred_element_type=jnp.float32) \
      + b2_ref[:]


@jax.jit
def _mlp(mean, W1, b1, W2, b2):
  M = 2048
  grid = (B // M,)
  return pl.pallas_call(
      _mlp_body,
      grid=grid,
      in_specs=[
          pl.BlockSpec((M, D), lambda i: (i, 0)),
          pl.BlockSpec((D, H), lambda i: (0, 0)),
          pl.BlockSpec((1, H), lambda i: (0, 0)),
          pl.BlockSpec((H, 2), lambda i: (0, 0)),
          pl.BlockSpec((1, 2), lambda i: (0, 0)),
      ],
      out_specs=pl.BlockSpec((M, 2), lambda i: (i, 0)),
      out_shape=jax.ShapeDtypeStruct((B, 2), jnp.float32),
  )(mean, W1, b1, W2, b2)


def kernel(x, T, emb, W1, b1, W2, b2):
  xt_pad = jnp.pad(x.astype(jnp.int32).T, ((0, KP - K), (0, 0)))
  wt_pad = jnp.pad(jnp.transpose(T, (2, 1, 0)).reshape(K, B),
                   ((0, KP - K), (0, 0)))
  idx_o, w_o = _sc_stage(xt_pad, wt_pad)
  emb_rows = _relayout(emb.T).reshape(VP, D)
  mean_sum = _sc_bag(emb_rows, idx_o, w_o)
  return _mlp(mean_sum, W1, b1.reshape(1, H), W2, b2.reshape(1, 2))

# --- scband reference (transcript-rebuilt; emitter-appended) ---
"""Pipeline reference for scband-qparameterization-78915729097536 (READ-ONLY COPY).

The authoritative reference and input builder live on the scoring server;
editing this copy changes nothing except your own understanding.
"""

import jax, jax.numpy as jnp
import numpy as np

B = 16384
K = 50
V = 1000000
D = 32
H = 250


def setup_inputs(seed: int = 0) -> dict:
    key = jax.random.key(seed)
    ks = jax.random.split(key, 8)
    x = jax.random.randint(ks[0], (B, K), 0, V, dtype=jnp.int64 if jax.config.jax_enable_x64 else jnp.int32)
    T = jax.random.uniform(ks[1], (B, 1, K), dtype=jnp.float32)
    emb = jax.random.normal(ks[2], (V, D), dtype=jnp.float32)
    W1 = jax.random.normal(ks[3], (D, H), dtype=jnp.float32) * 0.05
    b1 = jnp.zeros((H,), dtype=jnp.float32)
    W2 = jax.random.normal(ks[4], (H, 2), dtype=jnp.float32) * 0.05
    b2 = jnp.zeros((2,), dtype=jnp.float32)
    return {"x": x, "T": T, "emb": emb, "W1": W1, "b1": b1, "W2": W2, "b2": b2}


def reference(x, T, emb, W1, b1, W2, b2):
    # embeddings = self.emb(x)  -> [B, K, D]
    e = jnp.take(emb, x, axis=0)
    # transpose(-2, -1) -> [B, D, K]
    e = jnp.swapaxes(e, -2, -1)
    # Multiply: torch.mul(embeddings, T); T broadcasts as [B, 1, K]
    m = e * T
    # Mean: sum over last dim / k -> [B, D]
    mean = jnp.sum(m, axis=-1) / float(K)
    # fc1 + relu
    net = jax.nn.relu(mean @ W1 + b1)
    # fc2 -> [B, 2]
    out = net @ W2 + b2
    return out

if __name__ == "__main__":
    import jax
    _d = setup_inputs()
    print(jax.jit(kernel)(*tuple(_d.values())))

</pallas_src>

<mosaic_0001>
#map = affine_map<(d0, d1) -> (0, 0)>
module attributes {stable_mosaic.version = 14 : i64} {
  func.func @_sc_stage_body(%arg0: i32, %arg1: i32, %arg2: memref<56x16384xi32, #tpu.memory_space<hbm>>, %arg3: memref<56x16384xf32, #tpu.memory_space<hbm>>, %arg4: memref<8192x104xi32, #tpu.memory_space<hbm>>, %arg5: memref<8192x104xf32, #tpu.memory_space<hbm>>, %arg6: memref<50x512xi32, #tpu.memory_space<vmem>>, %arg7: memref<50x512xf32, #tpu.memory_space<vmem>>, %arg8: memref<256x104xi32, #tpu.memory_space<vmem>>, %arg9: memref<256x104xf32, #tpu.memory_space<vmem>>) attributes {dimension_semantics = [#tpu.dimension_semantics<core_parallel>, #tpu.dimension_semantics<subcore_parallel>], iteration_bounds = array<i64: 2, 16>, scalar_prefetch = 0 : i64, scratch_operands = 4 : i64, tpu.core_type = #tpu.core_type<sc_vector_subcore>, window_params = [{transform_indices = #map}, {transform_indices = #map}, {transform_indices = #map}, {transform_indices = #map}]} {
    %mul3A = arith.constant 2 : i32
    %mul3A_0 = arith.muli %arg1, %mul3A : i32
    %add3A = arith.addi %mul3A_0, %arg0 : i32
    %mul3A_1 = arith.constant 512 : i32
    %mul3A_2 = arith.muli %add3A, %mul3A_1 : i32
    "tpu.region"() ({
      %run_scoped3A = tpu.sem_alloc : memref<!tpu.dma_semaphore, #tpu.memory_space<semaphore_mem>>
      %dma_start3A = arith.constant 0 : i32
      %dma_start3A_32 = tpu.memref_slice %arg2[%dma_start3A, %mul3A_2] : memref<56x16384xi32, #tpu.memory_space<hbm>> -> memref<50x512xi32, #tpu.memory_space<hbm>>
      %dma_start3A_33 = arith.constant 0 : i32
      %dma_start3A_34 = tpu.memref_slice %arg2[%dma_start3A_33, %mul3A_2] : memref<56x16384xi32, #tpu.memory_space<hbm>> -> memref<50x512xi32, #tpu.memory_space<hbm>>
      tpu.enqueue_dma source(%dma_start3A_34 : memref<50x512xi32, #tpu.memory_space<hbm>>) target(%arg6 : memref<50x512xi32, #tpu.memory_space<vmem>>) target_semaphore(%run_scoped3A : memref<!tpu.dma_semaphore, #tpu.memory_space<semaphore_mem>>)
      %dma_wait3A = arith.constant 0 : i32
      %dma_wait3A_35 = tpu.memref_slice %arg2[%dma_wait3A, %mul3A_2] : memref<56x16384xi32, #tpu.memory_space<hbm>> -> memref<50x512xi32, #tpu.memory_space<hbm>>
      %dma_wait3A_36 = arith.constant 0 : i32
      %dma_wait3A_37 = tpu.memref_slice %arg2[%dma_wait3A_36, %mul3A_2] : memref<56x16384xi32, #tpu.memory_space<hbm>> -> memref<50x512xi32, #tpu.memory_space<hbm>>
      tpu.wait_dma2 semaphore(%run_scoped3A : memref<!tpu.dma_semaphore, #tpu.memory_space<semaphore_mem>>) src(%dma_wait3A_37 : memref<50x512xi32, #tpu.memory_space<hbm>>) dst(%arg6 : memref<50x512xi32, #tpu.memory_space<vmem>>)
      tpu.yield
    }) : () -> ()
    "tpu.region"() ({
      %run_scoped3A = tpu.sem_alloc : memref<!tpu.dma_semaphore, #tpu.memory_space<semaphore_mem>>
      %dma_start3A = arith.constant 0 : i32
      %dma_start3A_32 = tpu.memref_slice %arg3[%dma_start3A, %mul3A_2] : memref<56x16384xf32, #tpu.memory_space<hbm>> -> memref<50x512xf32, #tpu.memory_space<hbm>>
      %dma_start3A_33 = arith.constant 0 : i32
      %dma_start3A_34 = tpu.memref_slice %arg3[%dma_start3A_33, %mul3A_2] : memref<56x16384xf32, #tpu.memory_space<hbm>> -> memref<50x512xf32, #tpu.memory_space<hbm>>
      tpu.enqueue_dma source(%dma_start3A_34 : memref<50x512xf32, #tpu.memory_space<hbm>>) target(%arg7 : memref<50x512xf32, #tpu.memory_space<vmem>>) target_semaphore(%run_scoped3A : memref<!tpu.dma_semaphore, #tpu.memory_space<semaphore_mem>>)
      %dma_wait3A = arith.constant 0 : i32
      %dma_wait3A_35 = tpu.memref_slice %arg3[%dma_wait3A, %mul3A_2] : memref<56x16384xf32, #tpu.memory_space<hbm>> -> memref<50x512xf32, #tpu.memory_space<hbm>>
      %dma_wait3A_36 = arith.constant 0 : i32
      %dma_wait3A_37 = tpu.memref_slice %arg3[%dma_wait3A_36, %mul3A_2] : memref<56x16384xf32, #tpu.memory_space<hbm>> -> memref<50x512xf32, #tpu.memory_space<hbm>>
      tpu.wait_dma2 semaphore(%run_scoped3A : memref<!tpu.dma_semaphore, #tpu.memory_space<semaphore_mem>>) src(%dma_wait3A_37 : memref<50x512xf32, #tpu.memory_space<hbm>>) dst(%arg7 : memref<50x512xf32, #tpu.memory_space<vmem>>)
      tpu.yield
    }) : () -> ()
    %iota3A = tpu.iota {dimensions = array<i32: 0>} : vector<16xi32>
    %mul3A_3 = arith.constant 1021 : i32
    %mul3A_4 = vector.broadcast %mul3A_3 : i32 to vector<16xi32>
    %mul3A_5 = arith.muli %iota3A, %mul3A_4 : vector<16xi32>
    %mul3A_6 = arith.constant 37 : i32
    %mul3A_7 = arith.muli %add3A, %mul3A_6 : i32
    %add3A_8 = vector.broadcast %mul3A_7 : i32 to vector<16xi32>
    %add3A_9 = arith.addi %mul3A_5, %add3A_8 : vector<16xi32>
    %scan3A = arith.constant 0 : i32
    %scan3A_10 = arith.constant 0 : i32
    %scan3A_11 = arith.constant 256 : i32
    %scan3A_12 = arith.addi %scan3A_10, %scan3A_11 : i32
    %scan3A_13 = arith.constant 1 : i32
    %scan3A_14 = scf.for %scan3A_32 = %scan3A_10 to %scan3A_12 step %scan3A_13 iter_args(%scan3A_33 = %scan3A) -> (i32)  : i32 {
      %mul3A_34 = arith.constant 53 : i32
      %mul3A_35 = arith.muli %scan3A_32, %mul3A_34 : i32
      %add3A_36 = vector.broadcast %mul3A_35 : i32 to vector<16xi32>
      %add3A_37 = arith.addi %add3A_9, %add3A_36 : vector<16xi32>
      %swap3A = arith.index_cast %scan3A_32 : i32 to index
      %swap3A_38 = arith.constant 88 : index
      %swap3A_39 = tpu.vector_load %arg8[%swap3A, %swap3A_38] {strides = array<i32>} : memref<256x104xi32, #tpu.memory_space<vmem>>, vector<16xi32>,
      tpu.vector_store %arg8[%swap3A, %swap3A_38], %add3A_37 {strides = array<i32>} : memref<256x104xi32, #tpu.memory_space<vmem>>, vector<16xi32>,
      %scan3A_40 = arith.constant 0 : i32
      scf.yield %scan3A_40 : i32
    }
    %scan3A_15 = arith.constant 256 : i32
    %and3A = arith.constant 1 : i32
    %and3A_16 = vector.broadcast %and3A : i32 to vector<16xi32>
    %and3A_17 = arith.andi %iota3A, %and3A_16 : vector<16xi32>
    %mul3A_18 = arith.constant 50 : i32
    %mul3A_19 = vector.broadcast %mul3A_18 : i32 to vector<16xi32>
    %mul3A_20 = arith.muli %and3A_17, %mul3A_19 : vector<16xi32>
    %scan3A_21 = arith.constant 0 : i32
    %scan3A_22 = arith.constant 0 : i32
    %scan3A_23 = arith.constant 50 : i32
    %scan3A_24 = arith.addi %scan3A_22, %scan3A_23 : i32
    %scan3A_25 = arith.constant 1 : i32
    %scan3A_26 = scf.for %scan3A_32 = %scan3A_22 to %scan3A_24 step %scan3A_25 iter_args(%scan3A_33 = %scan3A_21) -> (i32)  : i32 {
      %shift_right_arithmetic3A = arith.constant 1 : i32
      %shift_right_arithmetic3A_34 = vector.broadcast %shift_right_arithmetic3A : i32 to vector<16xi32>
      %shift_right_arithmetic3A_35 = arith.shrsi %iota3A, %shift_right_arithmetic3A_34 : vector<16xi32>
      %add3A_36 = arith.constant 0 : i32
      %add3A_37 = vector.broadcast %add3A_36 : i32 to vector<16xi32>
      %add3A_38 = arith.addi %add3A_37, %shift_right_arithmetic3A_35 : vector<16xi32>
      %add3A_39 = vector.broadcast %scan3A_32 : i32 to vector<16xi32>
      %add3A_40 = arith.addi %mul3A_20, %add3A_39 : vector<16xi32>
      %get3A = arith.index_cast %scan3A_32 : i32 to index
      %get3A_41 = arith.constant 0 : index
      %get3A_42 = tpu.vector_load %arg6[%get3A, %get3A_41] {strides = array<i32>} : memref<50x512xi32, #tpu.memory_space<vmem>>, vector<16xi32>,
      %and3A_43 = arith.constant -8192 : i32
      %and3A_44 = vector.broadcast %and3A_43 : i32 to vector<16xi32>
      %and3A_45 = arith.andi %get3A_42, %and3A_44 : vector<16xi32>
      %and3A_46 = arith.constant 2047 : i32
      %and3A_47 = vector.broadcast %and3A_46 : i32 to vector<16xi32>
      %and3A_48 = arith.andi %get3A_42, %and3A_47 : vector<16xi32>
      %shift_left3A = arith.constant 2 : i32
      %shift_left3A_49 = vector.broadcast %shift_left3A : i32 to vector<16xi32>
      %shift_left3A_50 = arith.shli %and3A_48, %shift_left3A_49 : vector<16xi32>
      %or3A = arith.ori %and3A_45, %shift_left3A_50 : vector<16xi32>
      %and3A_51 = arith.constant 8191 : i32
      %and3A_52 = vector.broadcast %and3A_51 : i32 to vector<16xi32>
      %and3A_53 = arith.andi %get3A_42, %and3A_52 : vector<16xi32>
      %shift_right_arithmetic3A_54 = arith.constant 11 : i32
      %shift_right_arithmetic3A_55 = vector.broadcast %shift_right_arithmetic3A_54 : i32 to vector<16xi32>
      %shift_right_arithmetic3A_56 = arith.shrsi %and3A_53, %shift_right_arithmetic3A_55 : vector<16xi32>
      %or3A_57 = arith.ori %or3A, %shift_right_arithmetic3A_56 : vector<16xi32>
      tpu.vector_store_idx %arg8[%add3A_38, %add3A_40], %or3A_57 : memref<256x104xi32, #tpu.memory_space<vmem>>[vector<16xi32>, vector<16xi32>], vector<16xi32>,
      %get3A_58 = arith.index_cast %scan3A_32 : i32 to index
      %get3A_59 = arith.constant 0 : index
      %get3A_60 = tpu.vector_load %arg7[%get3A_58, %get3A_59] {strides = array<i32>} : memref<50x512xf32, #tpu.memory_space<vmem>>, vector<16xf32>,
      tpu.vector_store_idx %arg9[%add3A_38, %add3A_40], %get3A_60 : memref<256x104xf32, #tpu.memory_space<vmem>>[vector<16xi32>, vector<16xi32>], vector<16xf32>,
      %shift_right_arithmetic3A_61 = arith.constant 1 : i32
      %shift_right_arithmetic3A_62 = vector.broadcast %shift_right_arithmetic3A_61 : i32 to vector<16xi32>
      %shift_right_arithmetic3A_63 = arith.shrsi %iota3A, %shift_right_arithmetic3A_62 : vector<16xi32>
      %add3A_64 = arith.constant 8 : i32
      %add3A_65 = vector.broadcast %add3A_64 : i32 to vector<16xi32>
      %add3A_66 = arith.addi %add3A_65, %shift_right_arithmetic3A_63 : vector<16xi32>
      %add3A_67 = vector.broadcast %scan3A_32 : i32 to vector<16xi32>
      %add3A_68 = arith.addi %mul3A_20, %add3A_67 : vector<16xi32>
      %get3A_69 = arith.index_cast %scan3A_32 : i32 to index
      %get3A_70 = arith.constant 16 : index
      %get3A_71 = tpu.vector_load %arg6[%get3A_69, %get3A_70] {strides = array<i32>} : memref<50x512xi32, #tpu.memory_space<vmem>>, vector<16xi32>,
      %and3A_72 = arith.constant -8192 : i32
      %and3A_73 = vector.broadcast %and3A_72 : i32 to vector<16xi32>
      %and3A_74 = arith.andi %get3A_71, %and3A_73 : vector<16xi32>
      %and3A_75 = arith.constant 2047 : i32
      %and3A_76 = vector.broadcast %and3A_75 : i32 to vector<16xi32>
      %and3A_77 = arith.andi %get3A_71, %and3A_76 : vector<16xi32>
      %shift_left3A_78 = arith.constant 2 : i32
      %shift_left3A_79 = vector.broadcast %shift_left3A_78 : i32 to vector<16xi32>
      %shift_left3A_80 = arith.shli %and3A_77, %shift_left3A_79 : vector<16xi32>
      %or3A_81 = arith.ori %and3A_74, %shift_left3A_80 : vector<16xi32>
      %and3A_82 = arith.constant 8191 : i32
      %and3A_83 = vector.broadcast %and3A_82 : i32 to vector<16xi32>
      %and3A_84 = arith.andi %get3A_71, %and3A_83 : vector<16xi32>
      %shift_right_arithmetic3A_85 = arith.constant 11 : i32
      %shift_right_arithmetic3A_86 = vector.broadcast %shift_right_arithmetic3A_85 : i32 to vector<16xi32>
      %shift_right_arithmetic3A_87 = arith.shrsi %and3A_84, %shift_right_arithmetic3A_86 : vector<16xi32>
      %or3A_88 = arith.ori %or3A_81, %shift_right_arithmetic3A_87 : vector<16xi32>
      tpu.vector_store_idx %arg8[%add3A_66, %add3A_68], %or3A_88 : memref<256x104xi32, #tpu.memory_space<vmem>>[vector<16xi32>, vector<16xi32>], vector<16xi32>,
      %get3A_89 = arith.index_cast %scan3A_32 : i32 to index
      %get3A_90 = arith.constant 16 : index
      %get3A_91 = tpu.vector_load %arg7[%get3A_89, %get3A_90] {strides = array<i32>} : memref<50x512xf32, #tpu.memory_space<vmem>>, vector<16xf32>,
      tpu.vector_store_idx %arg9[%add3A_66, %add3A_68], %get3A_91 : memref<256x104xf32, #tpu.memory_space<vmem>>[vector<16xi32>, vector<16xi32>], vector<16xf32>,
      %shift_right_arithmetic3A_92 = arith.constant 1 : i32
      %shift_right_arithmetic3A_93 = vector.broadcast %shift_right_arithmetic3A_92 : i32 to vector<16xi32>
      %shift_right_arithmetic3A_94 = arith.shrsi %iota3A, %shift_right_arithmetic3A_93 : vector<16xi32>
      %add3A_95 = arith.constant 16 : i32
      %add3A_96 = vector.broadcast %add3A_95 : i32 to vector<16xi32>
      %add3A_97 = arith.addi %add3A_96, %shift_right_arithmetic3A_94 : vector<16xi32>
      %add3A_98 = vector.broadcast %scan3A_32 : i32 to vector<16xi32>
      %add3A_99 = arith.addi %mul3A_20, %add3A_98 : vector<16xi32>
      %get3A_100 = arith.index_cast %scan3A_32 : i32 to index
      %get3A_101 = arith.constant 32 : index
      %get3A_102 = tpu.vector_load %arg6[%get3A_100, %get3A_101] {strides = array<i32>} : memref<50x512xi32, #tpu.memory_space<vmem>>, vector<16xi32>,
      %and3A_103 = arith.constant -8192 : i32
      %and3A_104 = vector.broadcast %and3A_103 : i32 to vector<16xi32>
      %and3A_105 = arith.andi %get3A_102, %and3A_104 : vector<16xi32>
      %and3A_106 = arith.constant 2047 : i32
      %and3A_107 = vector.broadcast %and3A_106 : i32 to vector<16xi32>
      %and3A_108 = arith.andi %get3A_102, %and3A_107 : vector<16xi32>
      %shift_left3A_109 = arith.constant 2 : i32
      %shift_left3A_110 = vector.broadcast %shift_left3A_109 : i32 to vector<16xi32>
      %shift_left3A_111 = arith.shli %and3A_108, %shift_left3A_110 : vector<16xi32>
      %or3A_112 = arith.ori %and3A_105, %shift_left3A_111 : vector<16xi32>
      %and3A_113 = arith.constant 8191 : i32
      %and3A_114 = vector.broadcast %and3A_113 : i32 to vector<16xi32>
      %and3A_115 = arith.andi %get3A_102, %and3A_114 : vector<16xi32>
      %shift_right_arithmetic3A_116 = arith.constant 11 : i32
      %shift_right_arithmetic3A_117 = vector.broadcast %shift_right_arithmetic3A_116 : i32 to vector<16xi32>
      %shift_right_arithmetic3A_118 = arith.shrsi %and3A_115, %shift_right_arithmetic3A_117 : vector<16xi32>
      %or3A_119 = arith.ori %or3A_112, %shift_right_arithmetic3A_118 : vector<16xi32>
      tpu.vector_store_idx %arg8[%add3A_97, %add3A_99], %or3A_119 : memref<256x104xi32, #tpu.memory_space<vmem>>[vector<16xi32>, vector<16xi32>], vector<16xi32>,
      %get3A_120 = arith.index_cast %scan3A_32 : i32 to index
      %get3A_121 = arith.constant 32 : index
      %get3A_122 = tpu.vector_load %arg7[%get3A_120, %get3A_121] {strides = array<i32>} : memref<50x512xf32, #tpu.memory_space<vmem>>, vector<16xf32>,
      tpu.vector_store_idx %arg9[%add3A_97, %add3A_99], %get3A_122 : memref<256x104xf32, #tpu.memory_space<vmem>>[vector<16xi32>, vector<16xi32>], vector<16xf32>,
      %shift_right_arithmetic3A_123 = arith.constant 1 : i32
      %shift_right_arithmetic3A_124 = vector.broadcast %shift_right_arithmetic3A_123 : i32 to vector<16xi32>
      %shift_right_arithmetic3A_125 = arith.shrsi %iota3A, %shift_right_arithmetic3A_124 : vector<16xi32>
      %add3A_126 = arith.constant 24 : i32
      %add3A_127 = vector.broadcast %add3A_126 : i32 to vector<16xi32>
      %add3A_128 = arith.addi %add3A_127, %shift_right_arithmetic3A_125 : vector<16xi32>
      %add3A_129 = vector.broadcast %scan3A_32 : i32 to vector<16xi32>
      %add3A_130 = arith.addi %mul3A_20, %add3A_129 : vector<16xi32>
      %get3A_131 = arith.index_cast %scan3A_32 : i32 to index
      %get3A_132 = arith.constant 48 : index
      %get3A_133 = tpu.vector_load %arg6[%get3A_131, %get3A_132] {strides = array<i32>} : memref<50x512xi32, #tpu.memory_space<vmem>>, vector<16xi32>,
      %and3A_134 = arith.constant -8192 : i32
      %and3A_135 = vector.broadcast %and3A_134 : i32 to vector<16xi32>
      %and3A_136 = arith.andi %get3A_133, %and3A_135 : vector<16xi32>
      %and3A_137 = arith.constant 2047 : i32
      %and3A_138 = vector.broadcast %and3A_137 : i32 to vector<16xi32>
      %and3A_139 = arith.andi %get3A_133, %and3A_138 : vector<16xi32>
      %shift_left3A_140 = arith.constant 2 : i32
      %shift_left3A_141 = vector.broadcast %shift_left3A_140 : i32 to vector<16xi32>
      %shift_left3A_142 = arith.shli %and3A_139, %shift_left3A_141 : vector<16xi32>
      %or3A_143 = arith.ori %and3A_136, %shift_left3A_142 : vector<16xi32>
      %and3A_144 = arith.constant 8191 : i32
      %and3A_145 = vector.broadcast %and3A_144 : i32 to vector<16xi32>
      %and3A_146 = arith.andi %get3A_133, %and3A_145 : vector<16xi32>
      %shift_right_arithmetic3A_147 = arith.constant 11 : i32
      %shift_right_arithmetic3A_148 = vector.broadcast %shift_right_arithmetic3A_147 : i32 to vector<16xi32>
      %shift_right_arithmetic3A_149 = arith.shrsi %and3A_146, %shift_right_arithmetic3A_148 : vector<16xi32>
      %or3A_150 = arith.ori %or3A_143, %shift_right_arithmetic3A_149 : vector<16xi32>
      tpu.vector_store_idx %arg8[%add3A_128, %add3A_130], %or3A_150 : memref<256x104xi32, #tpu.memory_space<vmem>>[vector<16xi32>, vector<16xi32>], vector<16xi32>,
      %get3A_151 = arith.index_cast %scan3A_32 : i32 to index
      %get3A_152 = arith.constant 48 : index
      %get3A_153 = tpu.vector_load %arg7[%get3A_151, %get3A_152] {strides = array<i32>} : memref<50x512xf32, #tpu.memory_space<vmem>>, vector<16xf32>,
      tpu.vector_store_idx %arg9[%add3A_128, %add3A_130], %get3A_153 : memref<256x104xf32, #tpu.memory_space<vmem>>[vector<16xi32>, vector<16xi32>], vector<16xf32>,
      %shift_right_arithmetic3A_154 = arith.constant 1 : i32
      %shift_right_arithmetic3A_155 = vector.broadcast %shift_right_arithmetic3A_154 : i32 to vector<16xi32>
      %shift_right_arithmetic3A_156 = arith.shrsi %iota3A, %shift_right_arithmetic3A_155 : vector<16xi32>
      %add3A_157 = arith.constant 32 : i32
      %add3A_158 = vector.broadcast %add3A_157 : i32 to vector<16xi32>
      %add3A_159 = arith.addi %add3A_158, %shift_right_arithmetic3A_156 : vector<16xi32>
      %add3A_160 = vector.broadcast %scan3A_32 : i32 to vector<16xi32>
      %add3A_161 = arith.addi %mul3A_20, %add3A_160 : vector<16xi32>
      %get3A_162 = arith.index_cast %scan3A_32 : i32 to index
      %get3A_163 = arith.constant 64 : index
      %get3A_164 = tpu.vector_load %arg6[%get3A_162, %get3A_163] {strides = array<i32>} : memref<50x512xi32, #tpu.memory_space<vmem>>, vector<16xi32>,
      %and3A_165 = arith.constant -8192 : i32
      %and3A_166 = vector.broadcast %and3A_165 : i32 to vector<16xi32>
      %and3A_167 = arith.andi %get3A_164, %and3A_166 : vector<16xi32>
      %and3A_168 = arith.constant 2047 : i32
      %and3A_169 = vector.broadcast %and3A_168 : i32 to vector<16xi32>
      %and3A_170 = arith.andi %get3A_164, %and3A_169 : vector<16xi32>
      %shift_left3A_171 = arith.constant 2 : i32
      %shift_left3A_172 = vector.broadcast %shift_left3A_171 : i32 to vector<16xi32>
      %shift_left3A_173 = arith.shli %and3A_170, %shift_left3A_172 : vector<16xi32>
      %or3A_174 = arith.ori %and3A_167, %shift_left3A_173 : vector<16xi32>
      %and3A_175 = arith.constant 8191 : i32
      %and3A_176 = vector.broadcast %and3A_175 : i32 to vector<16xi32>
      %and3A_177 = arith.andi %get3A_164, %and3A_176 : vector<16xi32>
      %shift_right_arithmetic3A_178 = arith.constant 11 : i32
      %shift_right_arithmetic3A_179 = vector.broadcast %shift_right_arithmetic3A_178 : i32 to vector<16xi32>
      %shift_right_arithmetic3A_180 = arith.shrsi %and3A_177, %shift_right_arithmetic3A_179 : vector<16xi32>
      %or3A_181 = arith.ori %or3A_174, %shift_right_arithmetic3A_180 : vector<16xi32>
      tpu.vector_store_idx %arg8[%add3A_159, %add3A_161], %or3A_181 : memref<256x104xi32, #tpu.memory_space<vmem>>[vector<16xi32>, vector<16xi32>], vector<16xi32>,
      %get3A_182 = arith.index_cast %scan3A_32 : i32 to index
      %get3A_183 = arith.constant 64 : index
      %get3A_184 = tpu.vector_load %arg7[%get3A_182, %get3A_183] {strides = array<i32>} : memref<50x512xf32, #tpu.memory_space<vmem>>, vector<16xf32>,
      tpu.vector_store_idx %arg9[%add3A_159, %add3A_161], %get3A_184 : memref<256x104xf32, #tpu.memory_space<vmem>>[vector<16xi32>, vector<16xi32>], vector<16xf32>,
      %shift_right_arithmetic3A_185 = arith.constant 1 : i32
      %shift_right_arithmetic3A_186 = vector.broadcast %shift_right_arithmetic3A_185 : i32 to vector<16xi32>
      %shift_right_arithmetic3A_187 = arith.shrsi %iota3A, %shift_right_arithmetic3A_186 : vector<16xi32>
      %add3A_188 = arith.constant 40 : i32
      %add3A_189 = vector.broadcast %add3A_188 : i32 to vector<16xi32>
      %add3A_190 = arith.addi %add3A_189, %shift_right_arithmetic3A_187 : vector<16xi32>
      %add3A_191 = vector.broadcast %scan3A_32 : i32 to vector<16xi32>
      %add3A_192 = arith.addi %mul3A_20, %add3A_191 : vector<16xi32>
      %get3A_193 = arith.index_cast %scan3A_32 : i32 to index
      %get3A_194 = arith.constant 80 : index
      %get3A_195 = tpu.vector_load %arg6[%get3A_193, %get3A_194] {strides = array<i32>} : memref<50x512xi32, #tpu.memory_space<vmem>>, vector<16xi32>,
      %and3A_196 = arith.constant -8192 : i32
      %and3A_197 = vector.broadcast %and3A_196 : i32 to vector<16xi32>
      %and3A_198 = arith.andi %get3A_195, %and3A_197 : vector<16xi32>
      %and3A_199 = arith.constant 2047 : i32
      %and3A_200 = vector.broadcast %and3A_199 : i32 to vector<16xi32>
      %and3A_201 = arith.andi %get3A_195, %and3A_200 : vector<16xi32>
      %shift_left3A_202 = arith.constant 2 : i32
      %shift_left3A_203 = vector.broadcast %shift_left3A_202 : i32 to vector<16xi32>
      %shift_left3A_204 = arith.shli %and3A_201, %shift_left3A_203 : vector<16xi32>
      %or3A_205 = arith.ori %and3A_198, %shift_left3A_204 : vector<16xi32>
      %and3A_206 = arith.constant 8191 : i32
      %and3A_207 = vector.broadcast %and3A_206 : i32 to vector<16xi32>
      %and3A_208 = arith.andi %get3A_195, %and3A_207 : vector<16xi32>
      %shift_right_arithmetic3A_209 = arith.constant 11 : i32
      %shift_right_arithmetic3A_210 = vector.broadcast %shift_right_arithmetic3A_209 : i32 to vector<16xi32>
      %shift_right_arithmetic3A_211 = arith.shrsi %and3A_208, %shift_right_arithmetic3A_210 : vector<16xi32>
      %or3A_212 = arith.ori %or3A_205, %shift_right_arithmetic3A_211 : vector<16xi32>
      tpu.vector_store_idx %arg8[%add3A_190, %add3A_192], %or3A_212 : memref<256x104xi32, #tpu.memory_space<vmem>>[vector<16xi32>, vector<16xi32>], vector<16xi32>,
      %get3A_213 = arith.index_cast %scan3A_32 : i32 to index
      %get3A_214 = arith.constant 80 : index
      %get3A_215 = tpu.vector_load %arg7[%get3A_213, %get3A_214] {strides = array<i32>} : memref<50x512xf32, #tpu.memory_space<vmem>>, vector<16xf32>,
      tpu.vector_store_idx %arg9[%add3A_190, %add3A_192], %get3A_215 : memref<256x104xf32, #tpu.memory_space<vmem>>[vector<16xi32>, vector<16xi32>], vector<16xf32>,
      %shift_right_arithmetic3A_216 = arith.constant 1 : i32
      %shift_right_arithmetic3A_217 = vector.broadcast %shift_right_arithmetic3A_216 : i32 to vector<16xi32>
      %shift_right_arithmetic3A_218 = arith.shrsi %iota3A, %shift_right_arithmetic3A_217 : vector<16xi32>
      %add3A_219 = arith.constant 48 : i32
      %add3A_220 = vector.broadcast %add3A_219 : i32 to vector<16xi32>
      %add3A_221 = arith.addi %add3A_220, %shift_right_arithmetic3A_218 : vector<16xi32>
      %add3A_222 = vector.broadcast %scan3A_32 : i32 to vector<16xi32>
      %add3A_223 = arith.addi %mul3A_20, %add3A_222 : vector<16xi32>
      %get3A_224 = arith.index_cast %scan3A_32 : i32 to index
      %get3A_225 = arith.constant 96 : index
      %get3A_226 = tpu.vector_load %arg6[%get3A_224, %get3A_225] {strides = array<i32>} : memref<50x512xi32, #tpu.memory_space<vmem>>, vector<16xi32>,
      %and3A_227 = arith.constant -8192 : i32
      %and3A_228 = vector.broadcast %and3A_227 : i32 to vector<16xi32>
      %and3A_229 = arith.andi %get3A_226, %and3A_228 : vector<16xi32>
      %and3A_230 = arith.constant 2047 : i32
      %and3A_231 = vector.broadcast %and3A_230 : i32 to vector<16xi32>
      %and3A_232 = arith.andi %get3A_226, %and3A_231 : vector<16xi32>
      %shift_left3A_233 = arith.constant 2 : i32
      %shift_left3A_234 = vector.broadcast %shift_left3A_233 : i32 to vector<16xi32>
      %shift_left3A_235 = arith.shli %and3A_232, %shift_left3A_234 : vector<16xi32>
      %or3A_236 = arith.ori %and3A_229, %shift_left3A_235 : vector<16xi32>
      %and3A_237 = arith.constant 8191 : i32
      %and3A_238 = vector.broadcast %and3A_237 : i32 to vector<16xi32>
      %and3A_239 = arith.andi %get3A_226, %and3A_238 : vector<16xi32>
      %shift_right_arithmetic3A_240 = arith.constant 11 : i32
      %shift_right_arithmetic3A_241 = vector.broadcast %shift_right_arithmetic3A_240 : i32 to vector<16xi32>
      %shift_right_arithmetic3A_242 = arith.shrsi %and3A_239, %shift_right_arithmetic3A_241 : vector<16xi32>
      %or3A_243 = arith.ori %or3A_236, %shift_right_arithmetic3A_242 : vector<16xi32>
      tpu.vector_store_idx %arg8[%add3A_221, %add3A_223], %or3A_243 : memref<256x104xi32, #tpu.memory_space<vmem>>[vector<16xi32>, vector<16xi32>], vector<16xi32>,
      %get3A_244 = arith.index_cast %scan3A_32 : i32 to index
      %get3A_245 = arith.constant 96 : index
      %get3A_246 = tpu.vector_load %arg7[%get3A_244, %get3A_245] {strides = array<i32>} : memref<50x512xf32, #tpu.memory_space<vmem>>, vector<16xf32>,
      tpu.vector_store_idx %arg9[%add3A_221, %add3A_223], %get3A_246 : memref<256x104xf32, #tpu.memory_space<vmem>>[vector<16xi32>, vector<16xi32>], vector<16xf32>,
      %shift_right_arithmetic3A_247 = arith.constant 1 : i32
      %shift_right_arithmetic3A_248 = vector.broadcast %shift_right_arithmetic3A_247 : i32 to vector<16xi32>
      %shift_right_arithmetic3A_249 = arith.shrsi %iota3A, %shift_right_arithmetic3A_248 : vector<16xi32>
      %add3A_250 = arith.constant 56 : i32
      %add3A_251 = vector.broadcast %add3A_250 : i32 to vector<16xi32>
      %add3A_252 = arith.addi %add3A_251, %shift_right_arithmetic3A_249 : vector<16xi32>
      %add3A_253 = vector.broadcast %scan3A_32 : i32 to vector<16xi32>
      %add3A_254 = arith.addi %mul3A_20, %add3A_253 : vector<16xi32>
      %get3A_255 = arith.index_cast %scan3A_32 : i32 to index
      %get3A_256 = arith.constant 112 : index
      %get3A_257 = tpu.vector_load %arg6[%get3A_255, %get3A_256] {strides = array<i32>} : memref<50x512xi32, #tpu.memory_space<vmem>>, vector<16xi32>,
      %and3A_258 = arith.constant -8192 : i32
      %and3A_259 = vector.broadcast %and3A_258 : i32 to vector<16xi32>
      %and3A_260 = arith.andi %get3A_257, %and3A_259 : vector<16xi32>
      %and3A_261 = arith.constant 2047 : i32
      %and3A_262 = vector.broadcast %and3A_261 : i32 to vector<16xi32>
      %and3A_263 = arith.andi %get3A_257, %and3A_262 : vector<16xi32>
      %shift_left3A_264 = arith.constant 2 : i32
      %shift_left3A_265 = vector.broadcast %shift_left3A_264 : i32 to vector<16xi32>
      %shift_left3A_266 = arith.shli %and3A_263, %shift_left3A_265 : vector<16xi32>
      %or3A_267 = arith.ori %and3A_260, %shift_left3A_266 : vector<16xi32>
      %and3A_268 = arith.constant 8191 : i32
      %and3A_269 = vector.broadcast %and3A_268 : i32 to vector<16xi32>
      %and3A_270 = arith.andi %get3A_257, %and3A_269 : vector<16xi32>
      %shift_right_arithmetic3A_271 = arith.constant 11 : i32
      %shift_right_arithmetic3A_272 = vector.broadcast %shift_right_arithmetic3A_271 : i32 to vector<16xi32>
      %shift_right_arithmetic3A_273 = arith.shrsi %and3A_270, %shift_right_arithmetic3A_272 : vector<16xi32>
      %or3A_274 = arith.ori %or3A_267, %shift_right_arithmetic3A_273 : vector<16xi32>
      tpu.vector_store_idx %arg8[%add3A_252, %add3A_254], %or3A_274 : memref<256x104xi32, #tpu.memory_space<vmem>>[vector<16xi32>, vector<16xi32>], vector<16xi32>,
      %get3A_275 = arith.index_cast %scan3A_32 : i32 to index
      %get3A_276 = arith.constant 112 : index
      %get3A_277 = tpu.vector_load %arg7[%get3A_275, %get3A_276] {strides = array<i32>} : memref<50x512xf32, #tpu.memory_space<vmem>>, vector<16xf32>,
      tpu.vector_store_idx %arg9[%add3A_252, %add3A_254], %get3A_277 : memref<256x104xf32, #tpu.memory_space<vmem>>[vector<16xi32>, vector<16xi32>], vector<16xf32>,
      %shift_right_arithmetic3A_278 = arith.constant 1 : i32
      %shift_right_arithmetic3A_279 = vector.broadcast %shift_right_arithmetic3A_278 : i32 to vector<16xi32>
      %shift_right_arithmetic3A_280 = arith.shrsi %iota3A, %shift_right_arithmetic3A_279 : vector<16xi32>
      %add3A_281 = arith.constant 64 : i32
      %add3A_282 = vector.broadcast %add3A_281 : i32 to vector<16xi32>
      %add3A_283 = arith.addi %add3A_282, %shift_right_arithmetic3A_280 : vector<16xi32>
      %add3A_284 = vector.broadcast %scan3A_32 : i32 to vector<16xi32>
      %add3A_285 = arith.addi %mul3A_20, %add3A_284 : vector<16xi32>
      %get3A_286 = arith.index_cast %scan3A_32 : i32 to index
      %get3A_287 = arith.constant 128 : index
      %get3A_288 = tpu.vector_load %arg6[%get3A_286, %get3A_287] {strides = array<i32>} : memref<50x512xi32, #tpu.memory_space<vmem>>, vector<16xi32>,
      %and3A_289 = arith.constant -8192 : i32
      %and3A_290 = vector.broadcast %and3A_289 : i32 to vector<16xi32>
      %and3A_291 = arith.andi %get3A_288, %and3A_290 : vector<16xi32>
      %and3A_292 = arith.constant 2047 : i32
      %and3A_293 = vector.broadcast %and3A_292 : i32 to vector<16xi32>
      %and3A_294 = arith.andi %get3A_288, %and3A_293 : vector<16xi32>
      %shift_left3A_295 = arith.constant 2 : i32
      %shift_left3A_296 = vector.broadcast %shift_left3A_295 : i32 to vector<16xi32>
      %shift_left3A_297 = arith.shli %and3A_294, %shift_left3A_296 : vector<16xi32>
      %or3A_298 = arith.ori %and3A_291, %shift_left3A_297 : vector<16xi32>
      %and3A_299 = arith.constant 8191 : i32
      %and3A_300 = vector.broadcast %and3A_299 : i32 to vector<16xi32>
      %and3A_301 = arith.andi %get3A_288, %and3A_300 : vector<16xi32>
      %shift_right_arithmetic3A_302 = arith.constant 11 : i32
      %shift_right_arithmetic3A_303 = vector.broadcast %shift_right_arithmetic3A_302 : i32 to vector<16xi32>
      %shift_right_arithmetic3A_304 = arith.shrsi %and3A_301, %shift_right_arithmetic3A_303 : vector<16xi32>
      %or3A_305 = arith.ori %or3A_298, %shift_right_arithmetic3A_304 : vector<16xi32>
      tpu.vector_store_idx %arg8[%add3A_283, %add3A_285], %or3A_305 : memref<256x104xi32, #tpu.memory_space<vmem>>[vector<16xi32>, vector<16xi32>], vector<16xi32>,
      %get3A_306 = arith.index_cast %scan3A_32 : i32 to index
      %get3A_307 = arith.constant 128 : index
      %get3A_308 = tpu.vector_load %arg7[%get3A_306, %get3A_307] {strides = array<i32>} : memref<50x512xf32, #tpu.memory_space<vmem>>, vector<16xf32>,
      tpu.vector_store_idx %arg9[%add3A_283, %add3A_285], %get3A_308 : memref<256x104xf32, #tpu.memory_space<vmem>>[vector<16xi32>, vector<16xi32>], vector<16xf32>,
      %shift_right_arithmetic3A_309 = arith.constant 1 : i32
      %shift_right_arithmetic3A_310 = vector.broadcast %shift_right_arithmetic3A_309 : i32 to vector<16xi32>
      %shift_right_arithmetic3A_311 = arith.shrsi %iota3A, %shift_right_arithmetic3A_310 : vector<16xi32>
      %add3A_312 = arith.constant 72 : i32
      %add3A_313 = vector.broadcast %add3A_312 : i32 to vector<16xi32>
      %add3A_314 = arith.addi %add3A_313, %shift_right_arithmetic3A_311 : vector<16xi32>
      %add3A_315 = vector.broadcast %scan3A_32 : i32 to vector<16xi32>
      %add3A_316 = arith.addi %mul3A_20, %add3A_315 : vector<16xi32>
      %get3A_317 = arith.index_cast %scan3A_32 : i32 to index
      %get3A_318 = arith.constant 144 : index
      %get3A_319 = tpu.vector_load %arg6[%get3A_317, %get3A_318] {strides = array<i32>} : memref<50x512xi32, #tpu.memory_space<vmem>>, vector<16xi32>,
      %and3A_320 = arith.constant -8192 : i32
      %and3A_321 = vector.broadcast %and3A_320 : i32 to vector<16xi32>
      %and3A_322 = arith.andi %get3A_319, %and3A_321 : vector<16xi32>
      %and3A_323 = arith.constant 2047 : i32
      %and3A_324 = vector.broadcast %and3A_323 : i32 to vector<16xi32>
      %and3A_325 = arith.andi %get3A_319, %and3A_324 : vector<16xi32>
      %shift_left3A_326 = arith.constant 2 : i32
      %shift_left3A_327 = vector.broadcast %shift_left3A_326 : i32 to vector<16xi32>
      %shift_left3A_328 = arith.shli %and3A_325, %shift_left3A_327 : vector<16xi32>
      %or3A_329 = arith.ori %and3A_322, %shift_left3A_328 : vector<16xi32>
      %and3A_330 = arith.constant 8191 : i32
      %and3A_331 = vector.broadcast %and3A_330 : i32 to vector<16xi32>
      %and3A_332 = arith.andi %get3A_319, %and3A_331 : vector<16xi32>
      %shift_right_arithmetic3A_333 = arith.constant 11 : i32
      %shift_right_arithmetic3A_334 = vector.broadcast %shift_right_arithmetic3A_333 : i32 to vector<16xi32>
      %shift_right_arithmetic3A_335 = arith.shrsi %and3A_332, %shift_right_arithmetic3A_334 : vector<16xi32>
      %or3A_336 = arith.ori %or3A_329, %shift_right_arithmetic3A_335 : vector<16xi32>
      tpu.vector_store_idx %arg8[%add3A_314, %add3A_316], %or3A_336 : memref<256x104xi32, #tpu.memory_space<vmem>>[vector<16xi32>, vector<16xi32>], vector<16xi32>,
      %get3A_337 = arith.index_cast %scan3A_32 : i32 to index
      %get3A_338 = arith.constant 144 : index
      %get3A_339 = tpu.vector_load %arg7[%get3A_337, %get3A_338] {strides = array<i32>} : memref<50x512xf32, #tpu.memory_space<vmem>>, vector<16xf32>,
      tpu.vector_store_idx %arg9[%add3A_314, %add3A_316], %get3A_339 : memref<256x104xf32, #tpu.memory_space<vmem>>[vector<16xi32>, vector<16xi32>], vector<16xf32>,
      %shift_right_arithmetic3A_340 = arith.constant 1 : i32
      %shift_right_arithmetic3A_341 = vector.broadcast %shift_right_arithmetic3A_340 : i32 to vector<16xi32>
      %shift_right_arithmetic3A_342 = arith.shrsi %iota3A, %shift_right_arithmetic3A_341 : vector<16xi32>
      %add3A_343 = arith.constant 80 : i32
      %add3A_344 = vector.broadcast %add3A_343 : i32 to vector<16xi32>
      %add3A_345 = arith.addi %add3A_344, %shift_right_arithmetic3A_342 : vector<16xi32>
      %add3A_346 = vector.broadcast %scan3A_32 : i32 to vector<16xi32>
      %add3A_347 = arith.addi %mul3A_20, %add3A_346 : vector<16xi32>
      %get3A_348 = arith.index_cast %scan3A_32 : i32 to index
      %get3A_349 = arith.constant 160 : index
      %get3A_350 = tpu.vector_load %arg6[%get3A_348, %get3A_349] {strides = array<i32>} : memref<50x512xi32, #tpu.memory_space<vmem>>, vector<16xi32>,
      %and3A_351 = arith.constant -8192 : i32
      %and3A_352 = vector.broadcast %and3A_351 : i32 to vector<16xi32>
      %and3A_353 = arith.andi %get3A_350, %and3A_352 : vector<16xi32>
      %and3A_354 = arith.constant 2047 : i32
      %and3A_355 = vector.broadcast %and3A_354 : i32 to vector<16xi32>
      %and3A_356 = arith.andi %get3A_350, %and3A_355 : vector<16xi32>
      %shift_left3A_357 = arith.constant 2 : i32
      %shift_left3A_358 = vector.broadcast %shift_left3A_357 : i32 to vector<16xi32>
      %shift_left3A_359 = arith.shli %and3A_356, %shift_left3A_358 : vector<16xi32>
      %or3A_360 = arith.ori %and3A_353, %shift_left3A_359 : vector<16xi32>
      %and3A_361 = arith.constant 8191 : i32
      %and3A_362 = vector.broadcast %and3A_361 : i32 to vector<16xi32>
      %and3A_363 = arith.andi %get3A_350, %and3A_362 : vector<16xi32>
      %shift_right_arithmetic3A_364 = arith.constant 11 : i32
      %shift_right_arithmetic3A_365 = vector.broadcast %shift_right_arithmetic3A_364 : i32 to vector<16xi32>
      %shift_right_arithmetic3A_366 = arith.shrsi %and3A_363, %shift_right_arithmetic3A_365 : vector<16xi32>
      %or3A_367 = arith.ori %or3A_360, %shift_right_arithmetic3A_366 : vector<16xi32>
      tpu.vector_store_idx %arg8[%add3A_345, %add3A_347], %or3A_367 : memref<256x104xi32, #tpu.memory_space<vmem>>[vector<16xi32>, vector<16xi32>], vector<16xi32>,
      %get3A_368 = arith.index_cast %scan3A_32 : i32 to index
      %get3A_369 = arith.constant 160 : index
      %get3A_370 = tpu.vector_load %arg7[%get3A_368, %get3A_369] {strides = array<i32>} : memref<50x512xf32, #tpu.memory_space<vmem>>, vector<16xf32>,
      tpu.vector_store_idx %arg9[%add3A_345, %add3A_347], %get3A_370 : memref<256x104xf32, #tpu.memory_space<vmem>>[vector<16xi32>, vector<16xi32>], vector<16xf32>,
      %shift_right_arithmetic3A_371 = arith.constant 1 : i32
      %shift_right_arithmetic3A_372 = vector.broadcast %shift_right_arithmetic3A_371 : i32 to vector<16xi32>
      %shift_right_arithmetic3A_373 = arith.shrsi %iota3A, %shift_right_arithmetic3A_372 : vector<16xi32>
      %add3A_374 = arith.constant 88 : i32
      %add3A_375 = vector.broadcast %add3A_374 : i32 to vector<16xi32>
      %add3A_376 = arith.addi %add3A_375, %shift_right_arithmetic3A_373 : vector<16xi32>
      %add3A_377 = vector.broadcast %scan3A_32 : i32 to vector<16xi32>
      %add3A_378 = arith.addi %mul3A_20, %add3A_377 : vector<16xi32>
      %get3A_379 = arith.index_cast %scan3A_32 : i32 to index
      %get3A_380 = arith.constant 176 : index
      %get3A_381 = tpu.vector_load %arg6[%get3A_379, %get3A_380] {strides = array<i32>} : memref<50x512xi32, #tpu.memory_space<vmem>>, vector<16xi32>,
      %and3A_382 = arith.constant -8192 : i32
      %and3A_383 = vector.broadcast %and3A_382 : i32 to vector<16xi32>
      %and3A_384 = arith.andi %get3A_381, %and3A_383 : vector<16xi32>
      %and3A_385 = arith.constant 2047 : i32
      %and3A_386 = vector.broadcast %and3A_385 : i32 to vector<16xi32>
      %and3A_387 = arith.andi %get3A_381, %and3A_386 : vector<16xi32>
      %shift_left3A_388 = arith.constant 2 : i32
      %shift_left3A_389 = vector.broadcast %shift_left3A_388 : i32 to vector<16xi32>
      %shift_left3A_390 = arith.shli %and3A_387, %shift_left3A_389 : vector<16xi32>
      %or3A_391 = arith.ori %and3A_384, %shift_left3A_390 : vector<16xi32>
      %and3A_392 = arith.constant 8191 : i32
      %and3A_393 = vector.broadcast %and3A_392 : i32 to vector<16xi32>
      %and3A_394 = arith.andi %get3A_381, %and3A_393 : vector<16xi32>
      %shift_right_arithmetic3A_395 = arith.constant 11 : i32
      %shift_right_arithmetic3A_396 = vector.broadcast %shift_right_arithmetic3A_395 : i32 to vector<16xi32>
      %shift_right_arithmetic3A_397 = arith.shrsi %and3A_394, %shift_right_arithmetic3A_396 : vector<16xi32>
      %or3A_398 = arith.ori %or3A_391, %shift_right_arithmetic3A_397 : vector<16xi32>
      tpu.vector_store_idx %arg8[%add3A_376, %add3A_378], %or3A_398 : memref<256x104xi32, #tpu.memory_space<vmem>>[vector<16xi32>, vector<16xi32>], vector<16xi32>,
      %get3A_399 = arith.index_cast %scan3A_32 : i32 to index
      %get3A_400 = arith.constant 176 : index
      %get3A_401 = tpu.vector_load %arg7[%get3A_399, %get3A_400] {strides = array<i32>} : memref<50x512xf32, #tpu.memory_space<vmem>>, vector<16xf32>,
      tpu.vector_store_idx %arg9[%add3A_376, %add3A_378], %get3A_401 : memref<256x104xf32, #tpu.memory_space<vmem>>[vector<16xi32>, vector<16xi32>], vector<16xf32>,
      %shift_right_arithmetic3A_402 = arith.constant 1 : i32
      %shift_right_arithmetic3A_403 = vector.broadcast %shift_right_arithmetic3A_402 : i32 to vector<16xi32>
      %shift_right_arithmetic3A_404 = arith.shrsi %iota3A, %shift_right_arithmetic3A_403 : vector<16xi32>
      %add3A_405 = arith.constant 96 : i32
      %add3A_406 = vector.broadcast %add3A_405 : i32 to vector<16xi32>
      %add3A_407 = arith.addi %add3A_406, %shift_right_arithmetic3A_404 : vector<16xi32>
      %add3A_408 = vector.broadcast %scan3A_32 : i32 to vector<16xi32>
      %add3A_409 = arith.addi %mul3A_20, %add3A_408 : vector<16xi32>
      %get3A_410 = arith.index_cast %scan3A_32 : i32 to index
      %get3A_411 = arith.constant 192 : index
      %get3A_412 = tpu.vector_load %arg6[%get3A_410, %get3A_411] {strides = array<i32>} : memref<50x512xi32, #tpu.memory_space<vmem>>, vector<16xi32>,
      %and3A_413 = arith.constant -8192 : i32
      %and3A_414 = vector.broadcast %and3A_413 : i32 to vector<16xi32>
      %and3A_415 = arith.andi %get3A_412, %and3A_414 : vector<16xi32>
      %and3A_416 = arith.constant 2047 : i32
      %and3A_417 = vector.broadcast %and3A_416 : i32 to vector<16xi32>
      %and3A_418 = arith.andi %get3A_412, %and3A_417 : vector<16xi32>
      %shift_left3A_419 = arith.constant 2 : i32
      %shift_left3A_420 = vector.broadcast %shift_left3A_419 : i32 to vector<16xi32>
      %shift_left3A_421 = arith.shli %and3A_418, %shift_left3A_420 : vector<16xi32>
      %or3A_422 = arith.ori %and3A_415, %shift_left3A_421 : vector<16xi32>
      %and3A_423 = arith.constant 8191 : i32
      %and3A_424 = vector.broadcast %and3A_423 : i32 to vector<16xi32>
      %and3A_425 = arith.andi %get3A_412, %and3A_424 : vector<16xi32>
      %shift_right_arithmetic3A_426 = arith.constant 11 : i32
      %shift_right_arithmetic3A_427 = vector.broadcast %shift_right_arithmetic3A_426 : i32 to vector<16xi32>
      %shift_right_arithmetic3A_428 = arith.shrsi %and3A_425, %shift_right_arithmetic3A_427 : vector<16xi32>
      %or3A_429 = arith.ori %or3A_422, %shift_right_arithmetic3A_428 : vector<16xi32>
      tpu.vector_store_idx %arg8[%add3A_407, %add3A_409], %or3A_429 : memref<256x104xi32, #tpu.memory_space<vmem>>[vector<16xi32>, vector<16xi32>], vector<16xi32>,
      %get3A_430 = arith.index_cast %scan3A_32 : i32 to index
      %get3A_431 = arith.constant 192 : index
      %get3A_432 = tpu.vector_load %arg7[%get3A_430, %get3A_431] {strides = array<i32>} : memref<50x512xf32, #tpu.memory_space<vmem>>, vector<16xf32>,
      tpu.vector_store_idx %arg9[%add3A_407, %add3A_409], %get3A_432 : memref<256x104xf32, #tpu.memory_space<vmem>>[vector<16xi32>, vector<16xi32>], vector<16xf32>,
      %shift_right_arithmetic3A_433 = arith.constant 1 : i32
      %shift_right_arithmetic3A_434 = vector.broadcast %shift_right_arithmetic3A_433 : i32 to vector<16xi32>
      %shift_right_arithmetic3A_435 = arith.shrsi %iota3A, %shift_right_arithmetic3A_434 : vector<16xi32>
      %add3A_436 = arith.constant 104 : i32
      %add3A_437 = vector.broadcast %add3A_436 : i32 to vector<16xi32>
      %add3A_438 = arith.addi %add3A_437, %shift_right_arithmetic3A_435 : vector<16xi32>
      %add3A_439 = vector.broadcast %scan3A_32 : i32 to vector<16xi32>
      %add3A_440 = arith.addi %mul3A_20, %add3A_439 : vector<16xi32>
      %get3A_441 = arith.index_cast %scan3A_32 : i32 to index
      %get3A_442 = arith.constant 208 : index
      %get3A_443 = tpu.vector_load %arg6[%get3A_441, %get3A_442] {strides = array<i32>} : memref<50x512xi32, #tpu.memory_space<vmem>>, vector<16xi32>,
      %and3A_444 = arith.constant -8192 : i32
      %and3A_445 = vector.broadcast %and3A_444 : i32 to vector<16xi32>
      %and3A_446 = arith.andi %get3A_443, %and3A_445 : vector<16xi32>
      %and3A_447 = arith.constant 2047 : i32
      %and3A_448 = vector.broadcast %and3A_447 : i32 to vector<16xi32>
      %and3A_449 = arith.andi %get3A_443, %and3A_448 : vector<16xi32>
      %shift_left3A_450 = arith.constant 2 : i32
      %shift_left3A_451 = vector.broadcast %shift_left3A_450 : i32 to vector<16xi32>
      %shift_left3A_452 = arith.shli %and3A_449, %shift_left3A_451 : vector<16xi32>
      %or3A_453 = arith.ori %and3A_446, %shift_left3A_452 : vector<16xi32>
      %and3A_454 = arith.constant 8191 : i32
      %and3A_455 = vector.broadcast %and3A_454 : i32 to vector<16xi32>
      %and3A_456 = arith.andi %get3A_443, %and3A_455 : vector<16xi32>
      %shift_right_arithmetic3A_457 = arith.constant 11 : i32
      %shift_right_arithmetic3A_458 = vector.broadcast %shift_right_arithmetic3A_457 : i32 to vector<16xi32>
      %shift_right_arithmetic3A_459 = arith.shrsi %and3A_456, %shift_right_arithmetic3A_458 : vector<16xi32>
      %or3A_460 = arith.ori %or3A_453, %shift_right_arithmetic3A_459 : vector<16xi32>
      tpu.vector_store_idx %arg8[%add3A_438, %add3A_440], %or3A_460 : memref<256x104xi32, #tpu.memory_space<vmem>>[vector<16xi32>, vector<16xi32>], vector<16xi32>,
      %get3A_461 = arith.index_cast %scan3A_32 : i32 to index
      %get3A_462 = arith.constant 208 : index
      %get3A_463 = tpu.vector_load %arg7[%get3A_461, %get3A_462] {strides = array<i32>} : memref<50x512xf32, #tpu.memory_space<vmem>>, vector<16xf32>,
      tpu.vector_store_idx %arg9[%add3A_438, %add3A_440], %get3A_463 : memref<256x104xf32, #tpu.memory_space<vmem>>[vector<16xi32>, vector<16xi32>], vector<16xf32>,
      %shift_right_arithmetic3A_464 = arith.constant 1 : i32
      %shift_right_arithmetic3A_465 = vector.broadcast %shift_right_arithmetic3A_464 : i32 to vector<16xi32>
      %shift_right_arithmetic3A_466 = arith.shrsi %iota3A, %shift_right_arithmetic3A_465 : vector<16xi32>
      %add3A_467 = arith.constant 112 : i32
      %add3A_468 = vector.broadcast %add3A_467 : i32 to vector<16xi32>
      %add3A_469 = arith.addi %add3A_468, %shift_right_arithmetic3A_466 : vector<16xi32>
      %add3A_470 = vector.broadcast %scan3A_32 : i32 to vector<16xi32>
      %add3A_471 = arith.addi %mul3A_20, %add3A_470 : vector<16xi32>
      %get3A_472 = arith.index_cast %scan3A_32 : i32 to index
      %get3A_473 = arith.constant 224 : index
      %get3A_474 = tpu.vector_load %arg6[%get3A_472, %get3A_473] {strides = array<i32>} : memref<50x512xi32, #tpu.memory_space<vmem>>, vector<16xi32>,
      %and3A_475 = arith.constant -8192 : i32
      %and3A_476 = vector.broadcast %and3A_475 : i32 to vector<16xi32>
      %and3A_477 = arith.andi %get3A_474, %and3A_476 : vector<16xi32>
      %and3A_478 = arith.constant 2047 : i32
      %and3A_479 = vector.broadcast %and3A_478 : i32 to vector<16xi32>
      %and3A_480 = arith.andi %get3A_474, %and3A_479 : vector<16xi32>
      %shift_left3A_481 = arith.constant 2 : i32
      %shift_left3A_482 = vector.broadcast %shift_left3A_481 : i32 to vector<16xi32>
      %shift_left3A_483 = arith.shli %and3A_480, %shift_left3A_482 : vector<16xi32>
      %or3A_484 = arith.ori %and3A_477, %shift_left3A_483 : vector<16xi32>
      %and3A_485 = arith.constant 8191 : i32
      %and3A_486 = vector.broadcast %and3A_485 : i32 to vector<16xi32>
      %and3A_487 = arith.andi %get3A_474, %and3A_486 : vector<16xi32>
      %shift_right_arithmetic3A_488 = arith.constant 11 : i32
      %shift_right_arithmetic3A_489 = vector.broadcast %shift_right_arithmetic3A_488 : i32 to vector<16xi32>
      %shift_right_arithmetic3A_490 = arith.shrsi %and3A_487, %shift_right_arithmetic3A_489 : vector<16xi32>
      %or3A_491 = arith.ori %or3A_484, %shift_right_arithmetic3A_490 : vector<16xi32>
      tpu.vector_store_idx %arg8[%add3A_469, %add3A_471], %or3A_491 : memref<256x104xi32, #tpu.memory_space<vmem>>[vector<16xi32>, vector<16xi32>], vector<16xi32>,
      %get3A_492 = arith.index_cast %scan3A_32 : i32 to index
      %get3A_493 = arith.constant 224 : index
      %get3A_494 = tpu.vector_load %arg7[%get3A_492, %get3A_493] {strides = array<i32>} : memref<50x512xf32, #tpu.memory_space<vmem>>, vector<16xf32>,
      tpu.vector_store_idx %arg9[%add3A_469, %add3A_471], %get3A_494 : memref<256x104xf32, #tpu.memory_space<vmem>>[vector<16xi32>, vector<16xi32>], vector<16xf32>,
      %shift_right_arithmetic3A_495 = arith.constant 1 : i32
      %shift_right_arithmetic3A_496 = vector.broadcast %shift_right_arithmetic3A_495 : i32 to vector<16xi32>
      %shift_right_arithmetic3A_497 = arith.shrsi %iota3A, %shift_right_arithmetic3A_496 : vector<16xi32>
      %add3A_498 = arith.constant 120 : i32
      %add3A_499 = vector.broadcast %add3A_498 : i32 to vector<16xi32>
      %add3A_500 = arith.addi %add3A_499, %shift_right_arithmetic3A_497 : vector<16xi32>
      %add3A_501 = vector.broadcast %scan3A_32 : i32 to vector<16xi32>
      %add3A_502 = arith.addi %mul3A_20, %add3A_501 : vector<16xi32>
      %get3A_503 = arith.index_cast %scan3A_32 : i32 to index
      %get3A_504 = arith.constant 240 : index
      %get3A_505 = tpu.vector_load %arg6[%get3A_503, %get3A_504] {strides = array<i32>} : memref<50x512xi32, #tpu.memory_space<vmem>>, vector<16xi32>,
      %and3A_506 = arith.constant -8192 : i32
      %and3A_507 = vector.broadcast %and3A_506 : i32 to vector<16xi32>
      %and3A_508 = arith.andi %get3A_505, %and3A_507 : vector<16xi32>
      %and3A_509 = arith.constant 2047 : i32
      %and3A_510 = vector.broadcast %and3A_509 : i32 to vector<16xi32>
      %and3A_511 = arith.andi %get3A_505, %and3A_510 : vector<16xi32>
      %shift_left3A_512 = arith.constant 2 : i32
      %shift_left3A_513 = vector.broadcast %shift_left3A_512 : i32 to vector<16xi32>
      %shift_left3A_514 = arith.shli %and3A_511, %shift_left3A_513 : vector<16xi32>
      %or3A_515 = arith.ori %and3A_508, %shift_left3A_514 : vector<16xi32>
      %and3A_516 = arith.constant 8191 : i32
      %and3A_517 = vector.broadcast %and3A_516 : i32 to vector<16xi32>
      %and3A_518 = arith.andi %get3A_505, %and3A_517 : vector<16xi32>
      %shift_right_arithmetic3A_519 = arith.constant 11 : i32
      %shift_right_arithmetic3A_520 = vector.broadcast %shift_right_arithmetic3A_519 : i32 to vector<16xi32>
      %shift_right_arithmetic3A_521 = arith.shrsi %and3A_518, %shift_right_arithmetic3A_520 : vector<16xi32>
      %or3A_522 = arith.ori %or3A_515, %shift_right_arithmetic3A_521 : vector<16xi32>
      tpu.vector_store_idx %arg8[%add3A_500, %add3A_502], %or3A_522 : memref<256x104xi32, #tpu.memory_space<vmem>>[vector<16xi32>, vector<16xi32>], vector<16xi32>,
      %get3A_523 = arith.index_cast %scan3A_32 : i32 to index
      %get3A_524 = arith.constant 240 : index
      %get3A_525 = tpu.vector_load %arg7[%get3A_523, %get3A_524] {strides = array<i32>} : memref<50x512xf32, #tpu.memory_space<vmem>>, vector<16xf32>,
      tpu.vector_store_idx %arg9[%add3A_500, %add3A_502], %get3A_525 : memref<256x104xf32, #tpu.memory_space<vmem>>[vector<16xi32>, vector<16xi32>], vector<16xf32>,
      %shift_right_arithmetic3A_526 = arith.constant 1 : i32
      %shift_right_arithmetic3A_527 = vector.broadcast %shift_right_arithmetic3A_526 : i32 to vector<16xi32>
      %shift_right_arithmetic3A_528 = arith.shrsi %iota3A, %shift_right_arithmetic3A_527 : vector<16xi32>
      %add3A_529 = arith.constant 128 : i32
      %add3A_530 = vector.broadcast %add3A_529 : i32 to vector<16xi32>
      %add3A_531 = arith.addi %add3A_530, %shift_right_arithmetic3A_528 : vector<16xi32>
      %add3A_532 = vector.broadcast %scan3A_32 : i32 to vector<16xi32>
      %add3A_533 = arith.addi %mul3A_20, %add3A_532 : vector<16xi32>
      %get3A_534 = arith.index_cast %scan3A_32 : i32 to index
      %get3A_535 = arith.constant 256 : index
      %get3A_536 = tpu.vector_load %arg6[%get3A_534, %get3A_535] {strides = array<i32>} : memref<50x512xi32, #tpu.memory_space<vmem>>, vector<16xi32>,
      %and3A_537 = arith.constant -8192 : i32
      %and3A_538 = vector.broadcast %and3A_537 : i32 to vector<16xi32>
      %and3A_539 = arith.andi %get3A_536, %and3A_538 : vector<16xi32>
      %and3A_540 = arith.constant 2047 : i32
      %and3A_541 = vector.broadcast %and3A_540 : i32 to vector<16xi32>
      %and3A_542 = arith.andi %get3A_536, %and3A_541 : vector<16xi32>
      %shift_left3A_543 = arith.constant 2 : i32
      %shift_left3A_544 = vector.broadcast %shift_left3A_543 : i32 to vector<16xi32>
      %shift_left3A_545 = arith.shli %and3A_542, %shift_left3A_544 : vector<16xi32>
      %or3A_546 = arith.ori %and3A_539, %shift_left3A_545 : vector<16xi32>
      %and3A_547 = arith.constant 8191 : i32
      %and3A_548 = vector.broadcast %and3A_547 : i32 to vector<16xi32>
      %and3A_549 = arith.andi %get3A_536, %and3A_548 : vector<16xi32>
      %shift_right_arithmetic3A_550 = arith.constant 11 : i32
      %shift_right_arithmetic3A_551 = vector.broadcast %shift_right_arithmetic3A_550 : i32 to vector<16xi32>
      %shift_right_arithmetic3A_552 = arith.shrsi %and3A_549, %shift_right_arithmetic3A_551 : vector<16xi32>
      %or3A_553 = arith.ori %or3A_546, %shift_right_arithmetic3A_552 : vector<16xi32>
      tpu.vector_store_idx %arg8[%add3A_531, %add3A_533], %or3A_553 : memref<256x104xi32, #tpu.memory_space<vmem>>[vector<16xi32>, vector<16xi32>], vector<16xi32>,
      %get3A_554 = arith.index_cast %scan3A_32 : i32 to index
      %get3A_555 = arith.constant 256 : index
      %get3A_556 = tpu.vector_load %arg7[%get3A_554, %get3A_555] {strides = array<i32>} : memref<50x512xf32, #tpu.memory_space<vmem>>, vector<16xf32>,
      tpu.vector_store_idx %arg9[%add3A_531, %add3A_533], %get3A_556 : memref<256x104xf32, #tpu.memory_space<vmem>>[vector<16xi32>, vector<16xi32>], vector<16xf32>,
      %shift_right_arithmetic3A_557 = arith.constant 1 : i32
      %shift_right_arithmetic3A_558 = vector.broadcast %shift_right_arithmetic3A_557 : i32 to vector<16xi32>
      %shift_right_arithmetic3A_559 = arith.shrsi %iota3A, %shift_right_arithmetic3A_558 : vector<16xi32>
      %add3A_560 = arith.constant 136 : i32
      %add3A_561 = vector.broadcast %add3A_560 : i32 to vector<16xi32>
      %add3A_562 = arith.addi %add3A_561, %shift_right_arithmetic3A_559 : vector<16xi32>
      %add3A_563 = vector.broadcast %scan3A_32 : i32 to vector<16xi32>
      %add3A_564 = arith.addi %mul3A_20, %add3A_563 : vector<16xi32>
      %get3A_565 = arith.index_cast %scan3A_32 : i32 to index
      %get3A_566 = arith.constant 272 : index
      %get3A_567 = tpu.vector_load %arg6[%get3A_565, %get3A_566] {strides = array<i32>} : memref<50x512xi32, #tpu.memory_space<vmem>>, vector<16xi32>,
      %and3A_568 = arith.constant -8192 : i32
      %and3A_569 = vector.broadcast %and3A_568 : i32 to vector<16xi32>
      %and3A_570 = arith.andi %get3A_567, %and3A_569 : vector<16xi32>
      %and3A_571 = arith.constant 2047 : i32
      %and3A_572 = vector.broadcast %and3A_571 : i32 to vector<16xi32>
      %and3A_573 = arith.andi %get3A_567, %and3A_572 : vector<16xi32>
      %shift_left3A_574 = arith.constant 2 : i32
      %shift_left3A_575 = vector.broadcast %shift_left3A_574 : i32 to vector<16xi32>
      %shift_left3A_576 = arith.shli %and3A_573, %shift_left3A_575 : vector<16xi32>
      %or3A_577 = arith.ori %and3A_570, %shift_left3A_576 : vector<16xi32>
      %and3A_578 = arith.constant 8191 : i32
      %and3A_579 = vector.broadcast %and3A_578 : i32 to vector<16xi32>
      %and3A_580 = arith.andi %get3A_567, %and3A_579 : vector<16xi32>
      %shift_right_arithmetic3A_581 = arith.constant 11 : i32
      %shift_right_arithmetic3A_582 = vector.broadcast %shift_right_arithmetic3A_581 : i32 to vector<16xi32>
      %shift_right_arithmetic3A_583 = arith.shrsi %and3A_580, %shift_right_arithmetic3A_582 : vector<16xi32>
      %or3A_584 = arith.ori %or3A_577, %shift_right_arithmetic3A_583 : vector<16xi32>
      tpu.vector_store_idx %arg8[%add3A_562, %add3A_564], %or3A_584 : memref<256x104xi32, #tpu.memory_space<vmem>>[vector<16xi32>, vector<16xi32>], vector<16xi32>,
      %get3A_585 = arith.index_cast %scan3A_32 : i32 to index
      %get3A_586 = arith.constant 272 : index
      %get3A_587 = tpu.vector_load %arg7[%get3A_585, %get3A_586] {strides = array<i32>} : memref<50x512xf32, #tpu.memory_space<vmem>>, vector<16xf32>,
      tpu.vector_store_idx %arg9[%add3A_562, %add3A_564], %get3A_587 : memref<256x104xf32, #tpu.memory_space<vmem>>[vector<16xi32>, vector<16xi32>], vector<16xf32>,
      %shift_right_arithmetic3A_588 = arith.constant 1 : i32
      %shift_right_arithmetic3A_589 = vector.broadcast %shift_right_arithmetic3A_588 : i32 to vector<16xi32>
      %shift_right_arithmetic3A_590 = arith.shrsi %iota3A, %shift_right_arithmetic3A_589 : vector<16xi32>
      %add3A_591 = arith.constant 144 : i32
      %add3A_592 = vector.broadcast %add3A_591 : i32 to vector<16xi32>
      %add3A_593 = arith.addi %add3A_592, %shift_right_arithmetic3A_590 : vector<16xi32>
      %add3A_594 = vector.broadcast %scan3A_32 : i32 to vector<16xi32>
      %add3A_595 = arith.addi %mul3A_20, %add3A_594 : vector<16xi32>
      %get3A_596 = arith.index_cast %scan3A_32 : i32 to index
      %get3A_597 = arith.constant 288 : index
      %get3A_598 = tpu.vector_load %arg6[%get3A_596, %get3A_597] {strides = array<i32>} : memref<50x512xi32, #tpu.memory_space<vmem>>, vector<16xi32>,
      %and3A_599 = arith.constant -8192 : i32
      %and3A_600 = vector.broadcast %and3A_599 : i32 to vector<16xi32>
      %and3A_601 = arith.andi %get3A_598, %and3A_600 : vector<16xi32>
      %and3A_602 = arith.constant 2047 : i32
      %and3A_603 = vector.broadcast %and3A_602 : i32 to vector<16xi32>
      %and3A_604 = arith.andi %get3A_598, %and3A_603 : vector<16xi32>
      %shift_left3A_605 = arith.constant 2 : i32
      %shift_left3A_606 = vector.broadcast %shift_left3A_605 : i32 to vector<16xi32>
      %shift_left3A_607 = arith.shli %and3A_604, %shift_left3A_606 : vector<16xi32>
      %or3A_608 = arith.ori %and3A_601, %shift_left3A_607 : vector<16xi32>
      %and3A_609 = arith.constant 8191 : i32
      %and3A_610 = vector.broadcast %and3A_609 : i32 to vector<16xi32>
      %and3A_611 = arith.andi %get3A_598, %and3A_610 : vector<16xi32>
      %shift_right_arithmetic3A_612 = arith.constant 11 : i32
      %shift_right_arithmetic3A_613 = vector.broadcast %shift_right_arithmetic3A_612 : i32 to vector<16xi32>
      %shift_right_arithmetic3A_614 = arith.shrsi %and3A_611, %shift_right_arithmetic3A_613 : vector<16xi32>
      %or3A_615 = arith.ori %or3A_608, %shift_right_arithmetic3A_614 : vector<16xi32>
      tpu.vector_store_idx %arg8[%add3A_593, %add3A_595], %or3A_615 : memref<256x104xi32, #tpu.memory_space<vmem>>[vector<16xi32>, vector<16xi32>], vector<16xi32>,
      %get3A_616 = arith.index_cast %scan3A_32 : i32 to index
      %get3A_617 = arith.constant 288 : index
      %get3A_618 = tpu.vector_load %arg7[%get3A_616, %get3A_617] {strides = array<i32>} : memref<50x512xf32, #tpu.memory_space<vmem>>, vector<16xf32>,
      tpu.vector_store_idx %arg9[%add3A_593, %add3A_595], %get3A_618 : memref<256x104xf32, #tpu.memory_space<vmem>>[vector<16xi32>, vector<16xi32>], vector<16xf32>,
      %shift_right_arithmetic3A_619 = arith.constant 1 : i32
      %shift_right_arithmetic3A_620 = vector.broadcast %shift_right_arithmetic3A_619 : i32 to vector<16xi32>
      %shift_right_arithmetic3A_621 = arith.shrsi %iota3A, %shift_right_arithmetic3A_620 : vector<16xi32>
      %add3A_622 = arith.constant 152 : i32
      %add3A_623 = vector.broadcast %add3A_622 : i32 to vector<16xi32>
      %add3A_624 = arith.addi %add3A_623, %shift_right_arithmetic3A_621 : vector<16xi32>
      %add3A_625 = vector.broadcast %scan3A_32 : i32 to vector<16xi32>
      %add3A_626 = arith.addi %mul3A_20, %add3A_625 : vector<16xi32>
      %get3A_627 = arith.index_cast %scan3A_32 : i32 to index
      %get3A_628 = arith.constant 304 : index
      %get3A_629 = tpu.vector_load %arg6[%get3A_627, %get3A_628] {strides = array<i32>} : memref<50x512xi32, #tpu.memory_space<vmem>>, vector<16xi32>,
      %and3A_630 = arith.constant -8192 : i32
      %and3A_631 = vector.broadcast %and3A_630 : i32 to vector<16xi32>
      %and3A_632 = arith.andi %get3A_629, %and3A_631 : vector<16xi32>
      %and3A_633 = arith.constant 2047 : i32
      %and3A_634 = vector.broadcast %and3A_633 : i32 to vector<16xi32>
      %and3A_635 = arith.andi %get3A_629, %and3A_634 : vector<16xi32>
      %shift_left3A_636 = arith.constant 2 : i32
      %shift_left3A_637 = vector.broadcast %shift_left3A_636 : i32 to vector<16xi32>
      %shift_left3A_638 = arith.shli %and3A_635, %shift_left3A_637 : vector<16xi32>
      %or3A_639 = arith.ori %and3A_632, %shift_left3A_638 : vector<16xi32>
      %and3A_640 = arith.constant 8191 : i32
      %and3A_641 = vector.broadcast %and3A_640 : i32 to vector<16xi32>
      %and3A_642 = arith.andi %get3A_629, %and3A_641 : vector<16xi32>
      %shift_right_arithmetic3A_643 = arith.constant 11 : i32
      %shift_right_arithmetic3A_644 = vector.broadcast %shift_right_arithmetic3A_643 : i32 to vector<16xi32>
      %shift_right_arithmetic3A_645 = arith.shrsi %and3A_642, %shift_right_arithmetic3A_644 : vector<16xi32>
      %or3A_646 = arith.ori %or3A_639, %shift_right_arithmetic3A_645 : vector<16xi32>
      tpu.vector_store_idx %arg8[%add3A_624, %add3A_626], %or3A_646 : memref<256x104xi32, #tpu.memory_space<vmem>>[vector<16xi32>, vector<16xi32>], vector<16xi32>,
      %get3A_647 = arith.index_cast %scan3A_32 : i32 to index
      %get3A_648 = arith.constant 304 : index
      %get3A_649 = tpu.vector_load %arg7[%get3A_647, %get3A_648] {strides = array<i32>} : memref<50x512xf32, #tpu.memory_space<vmem>>, vector<16xf32>,
      tpu.vector_store_idx %arg9[%add3A_624, %add3A_626], %get3A_649 : memref<256x104xf32, #tpu.memory_space<vmem>>[vector<16xi32>, vector<16xi32>], vector<16xf32>,
      %shift_right_arithmetic3A_650 = arith.constant 1 : i32
      %shift_right_arithmetic3A_651 = vector.broadcast %shift_right_arithmetic3A_650 : i32 to vector<16xi32>
      %shift_right_arithmetic3A_652 = arith.shrsi %iota3A, %shift_right_arithmetic3A_651 : vector<16xi32>
      %add3A_653 = arith.constant 160 : i32
      %add3A_654 = vector.broadcast %add3A_653 : i32 to vector<16xi32>
      %add3A_655 = arith.addi %add3A_654, %shift_right_arithmetic3A_652 : vector<16xi32>
      %add3A_656 = vector.broadcast %scan3A_32 : i32 to vector<16xi32>
      %add3A_657 = arith.addi %mul3A_20, %add3A_656 : vector<16xi32>
      %get3A_658 = arith.index_cast %scan3A_32 : i32 to index
      %get3A_659 = arith.constant 320 : index
      %get3A_660 = tpu.vector_load %arg6[%get3A_658, %get3A_659] {strides = array<i32>} : memref<50x512xi32, #tpu.memory_space<vmem>>, vector<16xi32>,
      %and3A_661 = arith.constant -8192 : i32
      %and3A_662 = vector.broadcast %and3A_661 : i32 to vector<16xi32>
      %and3A_663 = arith.andi %get3A_660, %and3A_662 : vector<16xi32>
      %and3A_664 = arith.constant 2047 : i32
      %and3A_665 = vector.broadcast %and3A_664 : i32 to vector<16xi32>
      %and3A_666 = arith.andi %get3A_660, %and3A_665 : vector<16xi32>
      %shift_left3A_667 = arith.constant 2 : i32
      %shift_left3A_668 = vector.broadcast %shift_left3A_667 : i32 to vector<16xi32>
      %shift_left3A_669 = arith.shli %and3A_666, %shift_left3A_668 : vector<16xi32>
      %or3A_670 = arith.ori %and3A_663, %shift_left3A_669 : vector<16xi32>
      %and3A_671 = arith.constant 8191 : i32
      %and3A_672 = vector.broadcast %and3A_671 : i32 to vector<16xi32>
      %and3A_673 = arith.andi %get3A_660, %and3A_672 : vector<16xi32>
      %shift_right_arithmetic3A_674 = arith.constant 11 : i32
      %shift_right_arithmetic3A_675 = vector.broadcast %shift_right_arithmetic3A_674 : i32 to vector<16xi32>
      %shift_right_arithmetic3A_676 = arith.shrsi %and3A_673, %shift_right_arithmetic3A_675 : vector<16xi32>
      %or3A_677 = arith.ori %or3A_670, %shift_right_arithmetic3A_676 : vector<16xi32>
      tpu.vector_store_idx %arg8[%add3A_655, %add3A_657], %or3A_677 : memref<256x104xi32, #tpu.memory_space<vmem>>[vector<16xi32>, vector<16xi32>], vector<16xi32>,
      %get3A_678 = arith.index_cast %scan3A_32 : i32 to index
      %get3A_679 = arith.constant 320 : index
      %get3A_680 = tpu.vector_load %arg7[%get3A_678, %get3A_679] {strides = array<i32>} : memref<50x512xf32, #tpu.memory_space<vmem>>, vector<16xf32>,
      tpu.vector_store_idx %arg9[%add3A_655, %add3A_657], %get3A_680 : memref<256x104xf32, #tpu.memory_space<vmem>>[vector<16xi32>, vector<16xi32>], vector<16xf32>,
      %shift_right_arithmetic3A_681 = arith.constant 1 : i32
      %shift_right_arithmetic3A_682 = vector.broadcast %shift_right_arithmetic3A_681 : i32 to vector<16xi32>
      %shift_right_arithmetic3A_683 = arith.shrsi %iota3A, %shift_right_arithmetic3A_682 : vector<16xi32>
      %add3A_684 = arith.constant 168 : i32
      %add3A_685 = vector.broadcast %add3A_684 : i32 to vector<16xi32>
      %add3A_686 = arith.addi %add3A_685, %shift_right_arithmetic3A_683 : vector<16xi32>
      %add3A_687 = vector.broadcast %scan3A_32 : i32 to vector<16xi32>
      %add3A_688 = arith.addi %mul3A_20, %add3A_687 : vector<16xi32>
      %get3A_689 = arith.index_cast %scan3A_32 : i32 to index
      %get3A_690 = arith.constant 336 : index
      %get3A_691 = tpu.vector_load %arg6[%get3A_689, %get3A_690] {strides = array<i32>} : memref<50x512xi32, #tpu.memory_space<vmem>>, vector<16xi32>,
      %and3A_692 = arith.constant -8192 : i32
      %and3A_693 = vector.broadcast %and3A_692 : i32 to vector<16xi32>
      %and3A_694 = arith.andi %get3A_691, %and3A_693 : vector<16xi32>
      %and3A_695 = arith.constant 2047 : i32
      %and3A_696 = vector.broadcast %and3A_695 : i32 to vector<16xi32>
      %and3A_697 = arith.andi %get3A_691, %and3A_696 : vector<16xi32>
      %shift_left3A_698 = arith.constant 2 : i32
      %shift_left3A_699 = vector.broadcast %shift_left3A_698 : i32 to vector<16xi32>
      %shift_left3A_700 = arith.shli %and3A_697, %shift_left3A_699 : vector<16xi32>
      %or3A_701 = arith.ori %and3A_694, %shift_left3A_700 : vector<16xi32>
      %and3A_702 = arith.constant 8191 : i32
      %and3A_703 = vector.broadcast %and3A_702 : i32 to vector<16xi32>
      %and3A_704 = arith.andi %get3A_691, %and3A_703 : vector<16xi32>
      %shift_right_arithmetic3A_705 = arith.constant 11 : i32
      %shift_right_arithmetic3A_706 = vector.broadcast %shift_right_arithmetic3A_705 : i32 to vector<16xi32>
      %shift_right_arithmetic3A_707 = arith.shrsi %and3A_704, %shift_right_arithmetic3A_706 : vector<16xi32>
      %or3A_708 = arith.ori %or3A_701, %shift_right_arithmetic3A_707 : vector<16xi32>
      tpu.vector_store_idx %arg8[%add3A_686, %add3A_688], %or3A_708 : memref<256x104xi32, #tpu.memory_space<vmem>>[vector<16xi32>, vector<16xi32>], vector<16xi32>,
      %get3A_709 = arith.index_cast %scan3A_32 : i32 to index
      %get3A_710 = arith.constant 336 : index
      %get3A_711 = tpu.vector_load %arg7[%get3A_709, %get3A_710] {strides = array<i32>} : memref<50x512xf32, #tpu.memory_space<vmem>>, vector<16xf32>,
      tpu.vector_store_idx %arg9[%add3A_686, %add3A_688], %get3A_711 : memref<256x104xf32, #tpu.memory_space<vmem>>[vector<16xi32>, vector<16xi32>], vector<16xf32>,
      %shift_right_arithmetic3A_712 = arith.constant 1 : i32
      %shift_right_arithmetic3A_713 = vector.broadcast %shift_right_arithmetic3A_712 : i32 to vector<16xi32>
      %shift_right_arithmetic3A_714 = arith.shrsi %iota3A, %shift_right_arithmetic3A_713 : vector<16xi32>
      %add3A_715 = arith.constant 176 : i32
      %add3A_716 = vector.broadcast %add3A_715 : i32 to vector<16xi32>
      %add3A_717 = arith.addi %add3A_716, %shift_right_arithmetic3A_714 : vector<16xi32>
      %add3A_718 = vector.broadcast %scan3A_32 : i32 to vector<16xi32>
      %add3A_719 = arith.addi %mul3A_20, %add3A_718 : vector<16xi32>
      %get3A_720 = arith.index_cast %scan3A_32 : i32 to index
      %get3A_721 = arith.constant 352 : index
      %get3A_722 = tpu.vector_load %arg6[%get3A_720, %get3A_721] {strides = array<i32>} : memref<50x512xi32, #tpu.memory_space<vmem>>, vector<16xi32>,
      %and3A_723 = arith.constant -8192 : i32
      %and3A_724 = vector.broadcast %and3A_723 : i32 to vector<16xi32>
      %and3A_725 = arith.andi %get3A_722, %and3A_724 : vector<16xi32>
      %and3A_726 = arith.constant 2047 : i32
      %and3A_727 = vector.broadcast %and3A_726 : i32 to vector<16xi32>
      %and3A_728 = arith.andi %get3A_722, %and3A_727 : vector<16xi32>
      %shift_left3A_729 = arith.constant 2 : i32
      %shift_left3A_730 = vector.broadcast %shift_left3A_729 : i32 to vector<16xi32>
      %shift_left3A_731 = arith.shli %and3A_728, %shift_left3A_730 : vector<16xi32>
      %or3A_732 = arith.ori %and3A_725, %shift_left3A_731 : vector<16xi32>
      %and3A_733 = arith.constant 8191 : i32
      %and3A_734 = vector.broadcast %and3A_733 : i32 to vector<16xi32>
      %and3A_735 = arith.andi %get3A_722, %and3A_734 : vector<16xi32>
      %shift_right_arithmetic3A_736 = arith.constant 11 : i32
      %shift_right_arithmetic3A_737 = vector.broadcast %shift_right_arithmetic3A_736 : i32 to vector<16xi32>
      %shift_right_arithmetic3A_738 = arith.shrsi %and3A_735, %shift_right_arithmetic3A_737 : vector<16xi32>
      %or3A_739 = arith.ori %or3A_732, %shift_right_arithmetic3A_738 : vector<16xi32>
      tpu.vector_store_idx %arg8[%add3A_717, %add3A_719], %or3A_739 : memref<256x104xi32, #tpu.memory_space<vmem>>[vector<16xi32>, vector<16xi32>], vector<16xi32>,
      %get3A_740 = arith.index_cast %scan3A_32 : i32 to index
      %get3A_741 = arith.constant 352 : index
      %get3A_742 = tpu.vector_load %arg7[%get3A_740, %get3A_741] {strides = array<i32>} : memref<50x512xf32, #tpu.memory_space<vmem>>, vector<16xf32>,
      tpu.vector_store_idx %arg9[%add3A_717, %add3A_719], %get3A_742 : memref<256x104xf32, #tpu.memory_space<vmem>>[vector<16xi32>, vector<16xi32>], vector<16xf32>,
      %shift_right_arithmetic3A_743 = arith.constant 1 : i32
      %shift_right_arithmetic3A_744 = vector.broadcast %shift_right_arithmetic3A_743 : i32 to vector<16xi32>
      %shift_right_arithmetic3A_745 = arith.shrsi %iota3A, %shift_right_arithmetic3A_744 : vector<16xi32>
      %add3A_746 = arith.constant 184 : i32
      %add3A_747 = vector.broadcast %add3A_746 : i32 to vector<16xi32>
      %add3A_748 = arith.addi %add3A_747, %shift_right_arithmetic3A_745 : vector<16xi32>
      %add3A_749 = vector.broadcast %scan3A_32 : i32 to vector<16xi32>
      %add3A_750 = arith.addi %mul3A_20, %add3A_749 : vector<16xi32>
      %get3A_751 = arith.index_cast %scan3A_32 : i32 to index
      %get3A_752 = arith.constant 368 : index
      %get3A_753 = tpu.vector_load %arg6[%get3A_751, %get3A_752] {strides = array<i32>} : memref<50x512xi32, #tpu.memory_space<vmem>>, vector<16xi32>,
      %and3A_754 = arith.constant -8192 : i32
      %and3A_755 = vector.broadcast %and3A_754 : i32 to vector<16xi32>
      %and3A_756 = arith.andi %get3A_753, %and3A_755 : vector<16xi32>
      %and3A_757 = arith.constant 2047 : i32
      %and3A_758 = vector.broadcast %and3A_757 : i32 to vector<16xi32>
      %and3A_759 = arith.andi %get3A_753, %and3A_758 : vector<16xi32>
      %shift_left3A_760 = arith.constant 2 : i32
      %shift_left3A_761 = vector.broadcast %shift_left3A_760 : i32 to vector<16xi32>
      %shift_left3A_762 = arith.shli %and3A_759, %shift_left3A_761 : vector<16xi32>
      %or3A_763 = arith.ori %and3A_756, %shift_left3A_762 : vector<16xi32>
      %and3A_764 = arith.constant 8191 : i32
      %and3A_765 = vector.broadcast %and3A_764 : i32 to vector<16xi32>
      %and3A_766 = arith.andi %get3A_753, %and3A_765 : vector<16xi32>
      %shift_right_arithmetic3A_767 = arith.constant 11 : i32
      %shift_right_arithmetic3A_768 = vector.broadcast %shift_right_arithmetic3A_767 : i32 to vector<16xi32>
      %shift_right_arithmetic3A_769 = arith.shrsi %and3A_766, %shift_right_arithmetic3A_768 : vector<16xi32>
      %or3A_770 = arith.ori %or3A_763, %shift_right_arithmetic3A_769 : vector<16xi32>
      tpu.vector_store_idx %arg8[%add3A_748, %add3A_750], %or3A_770 : memref<256x104xi32, #tpu.memory_space<vmem>>[vector<16xi32>, vector<16xi32>], vector<16xi32>,
      %get3A_771 = arith.index_cast %scan3A_32 : i32 to index
      %get3A_772 = arith.constant 368 : index
      %get3A_773 = tpu.vector_load %arg7[%get3A_771, %get3A_772] {strides = array<i32>} : memref<50x512xf32, #tpu.memory_space<vmem>>, vector<16xf32>,
      tpu.vector_store_idx %arg9[%add3A_748, %add3A_750], %get3A_773 : memref<256x104xf32, #tpu.memory_space<vmem>>[vector<16xi32>, vector<16xi32>], vector<16xf32>,
      %shift_right_arithmetic3A_774 = arith.constant 1 : i32
      %shift_right_arithmetic3A_775 = vector.broadcast %shift_right_arithmetic3A_774 : i32 to vector<16xi32>
      %shift_right_arithmetic3A_776 = arith.shrsi %iota3A, %shift_right_arithmetic3A_775 : vector<16xi32>
      %add3A_777 = arith.constant 192 : i32
      %add3A_778 = vector.broadcast %add3A_777 : i32 to vector<16xi32>
      %add3A_779 = arith.addi %add3A_778, %shift_right_arithmetic3A_776 : vector<16xi32>
      %add3A_780 = vector.broadcast %scan3A_32 : i32 to vector<16xi32>
      %add3A_781 = arith.addi %mul3A_20, %add3A_780 : vector<16xi32>
      %get3A_782 = arith.index_cast %scan3A_32 : i32 to index
      %get3A_783 = arith.constant 384 : index
      %get3A_784 = tpu.vector_load %arg6[%get3A_782, %get3A_783] {strides = array<i32>} : memref<50x512xi32, #tpu.memory_space<vmem>>, vector<16xi32>,
      %and3A_785 = arith.constant -8192 : i32
      %and3A_786 = vector.broadcast %and3A_785 : i32 to vector<16xi32>
      %and3A_787 = arith.andi %get3A_784, %and3A_786 : vector<16xi32>
      %and3A_788 = arith.constant 2047 : i32
      %and3A_789 = vector.broadcast %and3A_788 : i32 to vector<16xi32>
      %and3A_790 = arith.andi %get3A_784, %and3A_789 : vector<16xi32>
      %shift_left3A_791 = arith.constant 2 : i32
      %shift_left3A_792 = vector.broadcast %shift_left3A_791 : i32 to vector<16xi32>
      %shift_left3A_793 = arith.shli %and3A_790, %shift_left3A_792 : vector<16xi32>
      %or3A_794 = arith.ori %and3A_787, %shift_left3A_793 : vector<16xi32>
      %and3A_795 = arith.constant 8191 : i32
      %and3A_796 = vector.broadcast %and3A_795 : i32 to vector<16xi32>
      %and3A_797 = arith.andi %get3A_784, %and3A_796 : vector<16xi32>
      %shift_right_arithmetic3A_798 = arith.constant 11 : i32
      %shift_right_arithmetic3A_799 = vector.broadcast %shift_right_arithmetic3A_798 : i32 to vector<16xi32>
      %shift_right_arithmetic3A_800 = arith.shrsi %and3A_797, %shift_right_arithmetic3A_799 : vector<16xi32>
      %or3A_801 = arith.ori %or3A_794, %shift_right_arithmetic3A_800 : vector<16xi32>
      tpu.vector_store_idx %arg8[%add3A_779, %add3A_781], %or3A_801 : memref<256x104xi32, #tpu.memory_space<vmem>>[vector<16xi32>, vector<16xi32>], vector<16xi32>,
      %get3A_802 = arith.index_cast %scan3A_32 : i32 to index
      %get3A_803 = arith.constant 384 : index
      %get3A_804 = tpu.vector_load %arg7[%get3A_802, %get3A_803] {strides = array<i32>} : memref<50x512xf32, #tpu.memory_space<vmem>>, vector<16xf32>,
      tpu.vector_store_idx %arg9[%add3A_779, %add3A_781], %get3A_804 : memref<256x104xf32, #tpu.memory_space<vmem>>[vector<16xi32>, vector<16xi32>], vector<16xf32>,
      %shift_right_arithmetic3A_805 = arith.constant 1 : i32
      %shift_right_arithmetic3A_806 = vector.broadcast %shift_right_arithmetic3A_805 : i32 to vector<16xi32>
      %shift_right_arithmetic3A_807 = arith.shrsi %iota3A, %shift_right_arithmetic3A_806 : vector<16xi32>
      %add3A_808 = arith.constant 200 : i32
      %add3A_809 = vector.broadcast %add3A_808 : i32 to vector<16xi32>
      %add3A_810 = arith.addi %add3A_809, %shift_right_arithmetic3A_807 : vector<16xi32>
      %add3A_811 = vector.broadcast %scan3A_32 : i32 to vector<16xi32>
      %add3A_812 = arith.addi %mul3A_20, %add3A_811 : vector<16xi32>
      %get3A_813 = arith.index_cast %scan3A_32 : i32 to index
      %get3A_814 = arith.constant 400 : index
      %get3A_815 = tpu.vector_load %arg6[%get3A_813, %get3A_814] {strides = array<i32>} : memref<50x512xi32, #tpu.memory_space<vmem>>, vector<16xi32>,
      %and3A_816 = arith.constant -8192 : i32
      %and3A_817 = vector.broadcast %and3A_816 : i32 to vector<16xi32>
      %and3A_818 = arith.andi %get3A_815, %and3A_817 : vector<16xi32>
      %and3A_819 = arith.constant 2047 : i32
      %and3A_820 = vector.broadcast %and3A_819 : i32 to vector<16xi32>
      %and3A_821 = arith.andi %get3A_815, %and3A_820 : vector<16xi32>
      %shift_left3A_822 = arith.constant 2 : i32
      %shift_left3A_823 = vector.broadcast %shift_left3A_822 : i32 to vector<16xi32>
      %shift_left3A_824 = arith.shli %and3A_821, %shift_left3A_823 : vector<16xi32>
      %or3A_825 = arith.ori %and3A_818, %shift_left3A_824 : vector<16xi32>
      %and3A_826 = arith.constant 8191 : i32
      %and3A_827 = vector.broadcast %and3A_826 : i32 to vector<16xi32>
      %and3A_828 = arith.andi %get3A_815, %and3A_827 : vector<16xi32>
      %shift_right_arithmetic3A_829 = arith.constant 11 : i32
      %shift_right_arithmetic3A_830 = vector.broadcast %shift_right_arithmetic3A_829 : i32 to vector<16xi32>
      %shift_right_arithmetic3A_831 = arith.shrsi %and3A_828, %shift_right_arithmetic3A_830 : vector<16xi32>
      %or3A_832 = arith.ori %or3A_825, %shift_right_arithmetic3A_831 : vector<16xi32>
      tpu.vector_store_idx %arg8[%add3A_810, %add3A_812], %or3A_832 : memref<256x104xi32, #tpu.memory_space<vmem>>[vector<16xi32>, vector<16xi32>], vector<16xi32>,
      %get3A_833 = arith.index_cast %scan3A_32 : i32 to index
      %get3A_834 = arith.constant 400 : index
      %get3A_835 = tpu.vector_load %arg7[%get3A_833, %get3A_834] {strides = array<i32>} : memref<50x512xf32, #tpu.memory_space<vmem>>, vector<16xf32>,
      tpu.vector_store_idx %arg9[%add3A_810, %add3A_812], %get3A_835 : memref<256x104xf32, #tpu.memory_space<vmem>>[vector<16xi32>, vector<16xi32>], vector<16xf32>,
      %shift_right_arithmetic3A_836 = arith.constant 1 : i32
      %shift_right_arithmetic3A_837 = vector.broadcast %shift_right_arithmetic3A_836 : i32 to vector<16xi32>
      %shift_right_arithmetic3A_838 = arith.shrsi %iota3A, %shift_right_arithmetic3A_837 : vector<16xi32>
      %add3A_839 = arith.constant 208 : i32
      %add3A_840 = vector.broadcast %add3A_839 : i32 to vector<16xi32>
      %add3A_841 = arith.addi %add3A_840, %shift_right_arithmetic3A_838 : vector<16xi32>
      %add3A_842 = vector.broadcast %scan3A_32 : i32 to vector<16xi32>
      %add3A_843 = arith.addi %mul3A_20, %add3A_842 : vector<16xi32>
      %get3A_844 = arith.index_cast %scan3A_32 : i32 to index
      %get3A_845 = arith.constant 416 : index
      %get3A_846 = tpu.vector_load %arg6[%get3A_844, %get3A_845] {strides = array<i32>} : memref<50x512xi32, #tpu.memory_space<vmem>>, vector<16xi32>,
      %and3A_847 = arith.constant -8192 : i32
      %and3A_848 = vector.broadcast %and3A_847 : i32 to vector<16xi32>
      %and3A_849 = arith.andi %get3A_846, %and3A_848 : vector<16xi32>
      %and3A_850 = arith.constant 2047 : i32
      %and3A_851 = vector.broadcast %and3A_850 : i32 to vector<16xi32>
      %and3A_852 = arith.andi %get3A_846, %and3A_851 : vector<16xi32>
      %shift_left3A_853 = arith.constant 2 : i32
      %shift_left3A_854 = vector.broadcast %shift_left3A_853 : i32 to vector<16xi32>
      %shift_left3A_855 = arith.shli %and3A_852, %shift_left3A_854 : vector<16xi32>
      %or3A_856 = arith.ori %and3A_849, %shift_left3A_855 : vector<16xi32>
      %and3A_857 = arith.constant 8191 : i32
      %and3A_858 = vector.broadcast %and3A_857 : i32 to vector<16xi32>
      %and3A_859 = arith.andi %get3A_846, %and3A_858 : vector<16xi32>
      %shift_right_arithmetic3A_860 = arith.constant 11 : i32
      %shift_right_arithmetic3A_861 = vector.broadcast %shift_right_arithmetic3A_860 : i32 to vector<16xi32>
      %shift_right_arithmetic3A_862 = arith.shrsi %and3A_859, %shift_right_arithmetic3A_861 : vector<16xi32>
      %or3A_863 = arith.ori %or3A_856, %shift_right_arithmetic3A_862 : vector<16xi32>
      tpu.vector_store_idx %arg8[%add3A_841, %add3A_843], %or3A_863 : memref<256x104xi32, #tpu.memory_space<vmem>>[vector<16xi32>, vector<16xi32>], vector<16xi32>,
      %get3A_864 = arith.index_cast %scan3A_32 : i32 to index
      %get3A_865 = arith.constant 416 : index
      %get3A_866 = tpu.vector_load %arg7[%get3A_864, %get3A_865] {strides = array<i32>} : memref<50x512xf32, #tpu.memory_space<vmem>>, vector<16xf32>,
      tpu.vector_store_idx %arg9[%add3A_841, %add3A_843], %get3A_866 : memref<256x104xf32, #tpu.memory_space<vmem>>[vector<16xi32>, vector<16xi32>], vector<16xf32>,
      %shift_right_arithmetic3A_867 = arith.constant 1 : i32
      %shift_right_arithmetic3A_868 = vector.broadcast %shift_right_arithmetic3A_867 : i32 to vector<16xi32>
      %shift_right_arithmetic3A_869 = arith.shrsi %iota3A, %shift_right_arithmetic3A_868 : vector<16xi32>
      %add3A_870 = arith.constant 216 : i32
      %add3A_871 = vector.broadcast %add3A_870 : i32 to vector<16xi32>
      %add3A_872 = arith.addi %add3A_871, %shift_right_arithmetic3A_869 : vector<16xi32>
      %add3A_873 = vector.broadcast %scan3A_32 : i32 to vector<16xi32>
      %add3A_874 = arith.addi %mul3A_20, %add3A_873 : vector<16xi32>
      %get3A_875 = arith.index_cast %scan3A_32 : i32 to index
      %get3A_876 = arith.constant 432 : index
      %get3A_877 = tpu.vector_load %arg6[%get3A_875, %get3A_876] {strides = array<i32>} : memref<50x512xi32, #tpu.memory_space<vmem>>, vector<16xi32>,
      %and3A_878 = arith.constant -8192 : i32
      %and3A_879 = vector.broadcast %and3A_878 : i32 to vector<16xi32>
      %and3A_880 = arith.andi %get3A_877, %and3A_879 : vector<16xi32>
      %and3A_881 = arith.constant 2047 : i32
      %and3A_882 = vector.broadcast %and3A_881 : i32 to vector<16xi32>
      %and3A_883 = arith.andi %get3A_877, %and3A_882 : vector<16xi32>
      %shift_left3A_884 = arith.constant 2 : i32
      %shift_left3A_885 = vector.broadcast %shift_left3A_884 : i32 to vector<16xi32>
      %shift_left3A_886 = arith.shli %and3A_883, %shift_left3A_885 : vector<16xi32>
      %or3A_887 = arith.ori %and3A_880, %shift_left3A_886 : vector<16xi32>
      %and3A_888 = arith.constant 8191 : i32
      %and3A_889 = vector.broadcast %and3A_888 : i32 to vector<16xi32>
      %and3A_890 = arith.andi %get3A_877, %and3A_889 : vector<16xi32>
      %shift_right_arithmetic3A_891 = arith.constant 11 : i32
      %shift_right_arithmetic3A_892 = vector.broadcast %shift_right_arithmetic3A_891 : i32 to vector<16xi32>
      %shift_right_arithmetic3A_893 = arith.shrsi %and3A_890, %shift_right_arithmetic3A_892 : vector<16xi32>
      %or3A_894 = arith.ori %or3A_887, %shift_right_arithmetic3A_893 : vector<16xi32>
      tpu.vector_store_idx %arg8[%add3A_872, %add3A_874], %or3A_894 : memref<256x104xi32, #tpu.memory_space<vmem>>[vector<16xi32>, vector<16xi32>], vector<16xi32>,
      %get3A_895 = arith.index_cast %scan3A_32 : i32 to index
      %get3A_896 = arith.constant 432 : index
      %get3A_897 = tpu.vector_load %arg7[%get3A_895, %get3A_896] {strides = array<i32>} : memref<50x512xf32, #tpu.memory_space<vmem>>, vector<16xf32>,
      tpu.vector_store_idx %arg9[%add3A_872, %add3A_874], %get3A_897 : memref<256x104xf32, #tpu.memory_space<vmem>>[vector<16xi32>, vector<16xi32>], vector<16xf32>,
      %shift_right_arithmetic3A_898 = arith.constant 1 : i32
      %shift_right_arithmetic3A_899 = vector.broadcast %shift_right_arithmetic3A_898 : i32 to vector<16xi32>
      %shift_right_arithmetic3A_900 = arith.shrsi %iota3A, %shift_right_arithmetic3A_899 : vector<16xi32>
      %add3A_901 = arith.constant 224 : i32
      %add3A_902 = vector.broadcast %add3A_901 : i32 to vector<16xi32>
      %add3A_903 = arith.addi %add3A_902, %shift_right_arithmetic3A_900 : vector<16xi32>
      %add3A_904 = vector.broadcast %scan3A_32 : i32 to vector<16xi32>
      %add3A_905 = arith.addi %mul3A_20, %add3A_904 : vector<16xi32>
      %get3A_906 = arith.index_cast %scan3A_32 : i32 to index
      %get3A_907 = arith.constant 448 : index
      %get3A_908 = tpu.vector_load %arg6[%get3A_906, %get3A_907] {strides = array<i32>} : memref<50x512xi32, #tpu.memory_space<vmem>>, vector<16xi32>,
      %and3A_909 = arith.constant -8192 : i32
      %and3A_910 = vector.broadcast %and3A_909 : i32 to vector<16xi32>
      %and3A_911 = arith.andi %get3A_908, %and3A_910 : vector<16xi32>
      %and3A_912 = arith.constant 2047 : i32
      %and3A_913 = vector.broadcast %and3A_912 : i32 to vector<16xi32>
      %and3A_914 = arith.andi %get3A_908, %and3A_913 : vector<16xi32>
      %shift_left3A_915 = arith.constant 2 : i32
      %shift_left3A_916 = vector.broadcast %shift_left3A_915 : i32 to vector<16xi32>
      %shift_left3A_917 = arith.shli %and3A_914, %shift_left3A_916 : vector<16xi32>
      %or3A_918 = arith.ori %and3A_911, %shift_left3A_917 : vector<16xi32>
      %and3A_919 = arith.constant 8191 : i32
      %and3A_920 = vector.broadcast %and3A_919 : i32 to vector<16xi32>
      %and3A_921 = arith.andi %get3A_908, %and3A_920 : vector<16xi32>
      %shift_right_arithmetic3A_922 = arith.constant 11 : i32
      %shift_right_arithmetic3A_923 = vector.broadcast %shift_right_arithmetic3A_922 : i32 to vector<16xi32>
      %shift_right_arithmetic3A_924 = arith.shrsi %and3A_921, %shift_right_arithmetic3A_923 : vector<16xi32>
      %or3A_925 = arith.ori %or3A_918, %shift_right_arithmetic3A_924 : vector<16xi32>
      tpu.vector_store_idx %arg8[%add3A_903, %add3A_905], %or3A_925 : memref<256x104xi32, #tpu.memory_space<vmem>>[vector<16xi32>, vector<16xi32>], vector<16xi32>,
      %get3A_926 = arith.index_cast %scan3A_32 : i32 to index
      %get3A_927 = arith.constant 448 : index
      %get3A_928 = tpu.vector_load %arg7[%get3A_926, %get3A_927] {strides = array<i32>} : memref<50x512xf32, #tpu.memory_space<vmem>>, vector<16xf32>,
      tpu.vector_store_idx %arg9[%add3A_903, %add3A_905], %get3A_928 : memref<256x104xf32, #tpu.memory_space<vmem>>[vector<16xi32>, vector<16xi32>], vector<16xf32>,
      %shift_right_arithmetic3A_929 = arith.constant 1 : i32
      %shift_right_arithmetic3A_930 = vector.broadcast %shift_right_arithmetic3A_929 : i32 to vector<16xi32>
      %shift_right_arithmetic3A_931 = arith.shrsi %iota3A, %shift_right_arithmetic3A_930 : vector<16xi32>
      %add3A_932 = arith.constant 232 : i32
      %add3A_933 = vector.broadcast %add3A_932 : i32 to vector<16xi32>
      %add3A_934 = arith.addi %add3A_933, %shift_right_arithmetic3A_931 : vector<16xi32>
      %add3A_935 = vector.broadcast %scan3A_32 : i32 to vector<16xi32>
      %add3A_936 = arith.addi %mul3A_20, %add3A_935 : vector<16xi32>
      %get3A_937 = arith.index_cast %scan3A_32 : i32 to index
      %get3A_938 = arith.constant 464 : index
      %get3A_939 = tpu.vector_load %arg6[%get3A_937, %get3A_938] {strides = array<i32>} : memref<50x512xi32, #tpu.memory_space<vmem>>, vector<16xi32>,
      %and3A_940 = arith.constant -8192 : i32
      %and3A_941 = vector.broadcast %and3A_940 : i32 to vector<16xi32>
      %and3A_942 = arith.andi %get3A_939, %and3A_941 : vector<16xi32>
      %and3A_943 = arith.constant 2047 : i32
      %and3A_944 = vector.broadcast %and3A_943 : i32 to vector<16xi32>
      %and3A_945 = arith.andi %get3A_939, %and3A_944 : vector<16xi32>
      %shift_left3A_946 = arith.constant 2 : i32
      %shift_left3A_947 = vector.broadcast %shift_left3A_946 : i32 to vector<16xi32>
      %shift_left3A_948 = arith.shli %and3A_945, %shift_left3A_947 : vector<16xi32>
      %or3A_949 = arith.ori %and3A_942, %shift_left3A_948 : vector<16xi32>
      %and3A_950 = arith.constant 8191 : i32
      %and3A_951 = vector.broadcast %and3A_950 : i32 to vector<16xi32>
      %and3A_952 = arith.andi %get3A_939, %and3A_951 : vector<16xi32>
      %shift_right_arithmetic3A_953 = arith.constant 11 : i32
      %shift_right_arithmetic3A_954 = vector.broadcast %shift_right_arithmetic3A_953 : i32 to vector<16xi32>
      %shift_right_arithmetic3A_955 = arith.shrsi %and3A_952, %shift_right_arithmetic3A_954 : vector<16xi32>
      %or3A_956 = arith.ori %or3A_949, %shift_right_arithmetic3A_955 : vector<16xi32>
      tpu.vector_store_idx %arg8[%add3A_934, %add3A_936], %or3A_956 : memref<256x104xi32, #tpu.memory_space<vmem>>[vector<16xi32>, vector<16xi32>], vector<16xi32>,
      %get3A_957 = arith.index_cast %scan3A_32 : i32 to index
      %get3A_958 = arith.constant 464 : index
      %get3A_959 = tpu.vector_load %arg7[%get3A_957, %get3A_958] {strides = array<i32>} : memref<50x512xf32, #tpu.memory_space<vmem>>, vector<16xf32>,
      tpu.vector_store_idx %arg9[%add3A_934, %add3A_936], %get3A_959 : memref<256x104xf32, #tpu.memory_space<vmem>>[vector<16xi32>, vector<16xi32>], vector<16xf32>,
      %shift_right_arithmetic3A_960 = arith.constant 1 : i32
      %shift_right_arithmetic3A_961 = vector.broadcast %shift_right_arithmetic3A_960 : i32 to vector<16xi32>
      %shift_right_arithmetic3A_962 = arith.shrsi %iota3A, %shift_right_arithmetic3A_961 : vector<16xi32>
      %add3A_963 = arith.constant 240 : i32
      %add3A_964 = vector.broadcast %add3A_963 : i32 to vector<16xi32>
      %add3A_965 = arith.addi %add3A_964, %shift_right_arithmetic3A_962 : vector<16xi32>
      %add3A_966 = vector.broadcast %scan3A_32 : i32 to vector<16xi32>
      %add3A_967 = arith.addi %mul3A_20, %add3A_966 : vector<16xi32>
      %get3A_968 = arith.index_cast %scan3A_32 : i32 to index
      %get3A_969 = arith.constant 480 : index
      %get3A_970 = tpu.vector_load %arg6[%get3A_968, %get3A_969] {strides = array<i32>} : memref<50x512xi32, #tpu.memory_space<vmem>>, vector<16xi32>,
      %and3A_971 = arith.constant -8192 : i32
      %and3A_972 = vector.broadcast %and3A_971 : i32 to vector<16xi32>
      %and3A_973 = arith.andi %get3A_970, %and3A_972 : vector<16xi32>
      %and3A_974 = arith.constant 2047 : i32
      %and3A_975 = vector.broadcast %and3A_974 : i32 to vector<16xi32>
      %and3A_976 = arith.andi %get3A_970, %and3A_975 : vector<16xi32>
      %shift_left3A_977 = arith.constant 2 : i32
      %shift_left3A_978 = vector.broadcast %shift_left3A_977 : i32 to vector<16xi32>
      %shift_left3A_979 = arith.shli %and3A_976, %shift_left3A_978 : vector<16xi32>
      %or3A_980 = arith.ori %and3A_973, %shift_left3A_979 : vector<16xi32>
      %and3A_981 = arith.constant 8191 : i32
      %and3A_982 = vector.broadcast %and3A_981 : i32 to vector<16xi32>
      %and3A_983 = arith.andi %get3A_970, %and3A_982 : vector<16xi32>
      %shift_right_arithmetic3A_984 = arith.constant 11 : i32
      %shift_right_arithmetic3A_985 = vector.broadcast %shift_right_arithmetic3A_984 : i32 to vector<16xi32>
      %shift_right_arithmetic3A_986 = arith.shrsi %and3A_983, %shift_right_arithmetic3A_985 : vector<16xi32>
      %or3A_987 = arith.ori %or3A_980, %shift_right_arithmetic3A_986 : vector<16xi32>
      tpu.vector_store_idx %arg8[%add3A_965, %add3A_967], %or3A_987 : memref<256x104xi32, #tpu.memory_space<vmem>>[vector<16xi32>, vector<16xi32>], vector<16xi32>,
      %get3A_988 = arith.index_cast %scan3A_32 : i32 to index
      %get3A_989 = arith.constant 480 : index
      %get3A_990 = tpu.vector_load %arg7[%get3A_988, %get3A_989] {strides = array<i32>} : memref<50x512xf32, #tpu.memory_space<vmem>>, vector<16xf32>,
      tpu.vector_store_idx %arg9[%add3A_965, %add3A_967], %get3A_990 : memref<256x104xf32, #tpu.memory_space<vmem>>[vector<16xi32>, vector<16xi32>], vector<16xf32>,
      %shift_right_arithmetic3A_991 = arith.constant 1 : i32
      %shift_right_arithmetic3A_992 = vector.broadcast %shift_right_arithmetic3A_991 : i32 to vector<16xi32>
      %shift_right_arithmetic3A_993 = arith.shrsi %iota3A, %shift_right_arithmetic3A_992 : vector<16xi32>
      %add3A_994 = arith.constant 248 : i32
      %add3A_995 = vector.broadcast %add3A_994 : i32 to vector<16xi32>
      %add3A_996 = arith.addi %add3A_995, %shift_right_arithmetic3A_993 : vector<16xi32>
      %add3A_997 = vector.broadcast %scan3A_32 : i32 to vector<16xi32>
      %add3A_998 = arith.addi %mul3A_20, %add3A_997 : vector<16xi32>
      %get3A_999 = arith.index_cast %scan3A_32 : i32 to index
      %get3A_1000 = arith.constant 496 : index
      %get3A_1001 = tpu.vector_load %arg6[%get3A_999, %get3A_1000] {strides = array<i32>} : memref<50x512xi32, #tpu.memory_space<vmem>>, vector<16xi32>,
      %and3A_1002 = arith.constant -8192 : i32
      %and3A_1003 = vector.broadcast %and3A_1002 : i32 to vector<16xi32>
      %and3A_1004 = arith.andi %get3A_1001, %and3A_1003 : vector<16xi32>
      %and3A_1005 = arith.constant 2047 : i32
      %and3A_1006 = vector.broadcast %and3A_1005 : i32 to vector<16xi32>
      %and3A_1007 = arith.andi %get3A_1001, %and3A_1006 : vector<16xi32>
      %shift_left3A_1008 = arith.constant 2 : i32
      %shift_left3A_1009 = vector.broadcast %shift_left3A_1008 : i32 to vector<16xi32>
      %shift_left3A_1010 = arith.shli %and3A_1007, %shift_left3A_1009 : vector<16xi32>
      %or3A_1011 = arith.ori %and3A_1004, %shift_left3A_1010 : vector<16xi32>
      %and3A_1012 = arith.constant 8191 : i32
      %and3A_1013 = vector.broadcast %and3A_1012 : i32 to vector<16xi32>
      %and3A_1014 = arith.andi %get3A_1001, %and3A_1013 : vector<16xi32>
      %shift_right_arithmetic3A_1015 = arith.constant 11 : i32
      %shift_right_arithmetic3A_1016 = vector.broadcast %shift_right_arithmetic3A_1015 : i32 to vector<16xi32>
      %shift_right_arithmetic3A_1017 = arith.shrsi %and3A_1014, %shift_right_arithmetic3A_1016 : vector<16xi32>
      %or3A_1018 = arith.ori %or3A_1011, %shift_right_arithmetic3A_1017 : vector<16xi32>
      tpu.vector_store_idx %arg8[%add3A_996, %add3A_998], %or3A_1018 : memref<256x104xi32, #tpu.memory_space<vmem>>[vector<16xi32>, vector<16xi32>], vector<16xi32>,
      %get3A_1019 = arith.index_cast %scan3A_32 : i32 to index
      %get3A_1020 = arith.constant 496 : index
      %get3A_1021 = tpu.vector_load %arg7[%get3A_1019, %get3A_1020] {strides = array<i32>} : memref<50x512xf32, #tpu.memory_space<vmem>>, vector<16xf32>,
      tpu.vector_store_idx %arg9[%add3A_996, %add3A_998], %get3A_1021 : memref<256x104xf32, #tpu.memory_space<vmem>>[vector<16xi32>, vector<16xi32>], vector<16xf32>,
      %scan3A_1022 = arith.constant 0 : i32
      scf.yield %scan3A_1022 : i32
    }
    %scan3A_27 = arith.constant 50 : i32
    %mul3A_28 = arith.constant 256 : i32
    %mul3A_29 = arith.muli %add3A, %mul3A_28 : i32
    "tpu.region"() ({
      %run_scoped3A = tpu.sem_alloc : memref<!tpu.dma_semaphore, #tpu.memory_space<semaphore_mem>>
      %dma_start3A = arith.constant 0 : i32
      %dma_start3A_32 = tpu.memref_slice %arg4[%mul3A_29, %dma_start3A] : memref<8192x104xi32, #tpu.memory_space<hbm>> -> memref<256x104xi32, #tpu.memory_space<hbm>>
      %dma_start3A_33 = arith.constant 0 : i32
      %dma_start3A_34 = tpu.memref_slice %arg4[%mul3A_29, %dma_start3A_33] : memref<8192x104xi32, #tpu.memory_space<hbm>> -> memref<256x104xi32, #tpu.memory_space<hbm>>
      tpu.enqueue_dma source(%arg8 : memref<256x104xi32, #tpu.memory_space<vmem>>) target(%dma_start3A_34 : memref<256x104xi32, #tpu.memory_space<hbm>>) target_semaphore(%run_scoped3A : memref<!tpu.dma_semaphore, #tpu.memory_space<semaphore_mem>>)
      %dma_wait3A = arith.constant 0 : i32
      %dma_wait3A_35 = tpu.memref_slice %arg4[%mul3A_29, %dma_wait3A] : memref<8192x104xi32, #tpu.memory_space<hbm>> -> memref<256x104xi32, #tpu.memory_space<hbm>>
      %dma_wait3A_36 = arith.constant 0 : i32
      %dma_wait3A_37 = tpu.memref_slice %arg4[%mul3A_29, %dma_wait3A_36] : memref<8192x104xi32, #tpu.memory_space<hbm>> -> memref<256x104xi32, #tpu.memory_space<hbm>>
      tpu.wait_dma2 semaphore(%run_scoped3A : memref<!tpu.dma_semaphore, #tpu.memory_space<semaphore_mem>>) src(%arg8 : memref<256x104xi32, #tpu.memory_space<vmem>>) dst(%dma_wait3A_37 : memref<256x104xi32, #tpu.memory_space<hbm>>)
      tpu.yield
    }) : () -> ()
    %mul3A_30 = arith.constant 256 : i32
    %mul3A_31 = arith.muli %add3A, %mul3A_30 : i32
    "tpu.region"() ({
      %run_scoped3A = tpu.sem_alloc : memref<!tpu.dma_semaphore, #tpu.memory_space<semaphore_mem>>
      %dma_start3A = arith.constant 0 : i32
      %dma_start3A_32 = tpu.memref_slice %arg5[%mul3A_31, %dma_start3A] : memref<8192x104xf32, #tpu.memory_space<hbm>> -> memref<256x104xf32, #tpu.memory_space<hbm>>
      %dma_start3A_33 = arith.constant 0 : i32
      %dma_start3A_34 = tpu.memref_slice %arg5[%mul3A_31, %dma_start3A_33] : memref<8192x104xf32, #tpu.memory_space<hbm>> -> memref<256x104xf32, #tpu.memory_space<hbm>>
      tpu.enqueue_dma source(%arg9 : memref<256x104xf32, #tpu.memory_space<vmem>>) target(%dma_start3A_34 : memref<256x104xf32, #tpu.memory_space<hbm>>) target_semaphore(%run_scoped3A : memref<!tpu.dma_semaphore, #tpu.memory_space<semaphore_mem>>)
      %dma_wait3A = arith.constant 0 : i32
      %dma_wait3A_35 = tpu.memref_slice %arg5[%mul3A_31, %dma_wait3A] : memref<8192x104xf32, #tpu.memory_space<hbm>> -> memref<256x104xf32, #tpu.memory_space<hbm>>
      %dma_wait3A_36 = arith.constant 0 : i32
      %dma_wait3A_37 = tpu.memref_slice %arg5[%mul3A_31, %dma_wait3A_36] : memref<8192x104xf32, #tpu.memory_space<hbm>> -> memref<256x104xf32, #tpu.memory_space<hbm>>
      tpu.wait_dma2 semaphore(%run_scoped3A : memref<!tpu.dma_semaphore, #tpu.memory_space<semaphore_mem>>) src(%arg9 : memref<256x104xf32, #tpu.memory_space<vmem>>) dst(%dma_wait3A_37 : memref<256x104xf32, #tpu.memory_space<hbm>>)
      tpu.yield
    }) : () -> ()
    return
  }
}

</mosaic_0001>

<sc_bundles>
// kernel: _sc_stage.3.cloned.1.call-start
scs
__scs_entry_jumppad:
0x0: {  	(pc) =	sbr.rel $0x88, $3  }
0x1: {  	(tag) =	ssettag $0x0;
	lr =	simm.s32 $0x1  }
0x2: {  	[smem:$0x3F9F] =	sst lr;
	_ =	strace $0xD0000000  }
0x3: {  	_ = 	snop  }
0x4: {  	_ = 	snop  }
0x5: {  	_ = 	snop  }
0x6: {  	_ = 	snop  }
0x7: {  	_ = 	snop  }
__scs_overlays_trampoline_lowered:
0x8: {  	[smem:$0x3FAE] =	sst s0  }
0x9: {  	[smem:$0x3FAF] =	sst s1  }
0xa: {  	[smem:$0x3FB0] =	sst s2  }
0xb: {  	[smem:$0x3FB1] =	sst s3  }
0xc: {  	[smem:$0x3FB2] =	sst s4  }
0xd: {  	[smem:$0x3FB3] =	sst s5  }
0xe: {  	[smem:$0x3FB4] =	sst s6  }
0xf: {  	[smem:$0x3FB5] =	sst s7  }
0x10: {  	[smem:$0x3FB6] =	sst s8  }
0x11: {  	[smem:$0x3FB7] =	sst s9;
	s0 =	simm.s32 @!p0 $0x0  }
0x12: {  	s1 =	sld [smem:$0x3F9D];
	s0 =	simm.s32 @p0 $0x1  }
0x13: {  	[smem:$0x3FB8] =	sst s0;
	s0 =	simm.s32 @!p1 $0x0  }
0x14: {  	s2 =	sld [smem:$0x3F9C];
	s0 =	simm.s32 @p1 $0x1  }
0x15: {  	[smem:$0x3FB9] =	sst s0;
	s0 =	simm.s32 @!p2 $0x0  }
0x16: {  	s3 =	sld [smem:$0x3FDB];
	s0 =	simm.s32 @p2 $0x1  }
0x17: {  	s4 =	simm.s32 $0x1BF5;
	[smem:$0x3FBB] =	sst s0  }
0x18: {  	s0 =	sld [smem:$0x3F9E];
	_ =	swait.ge [sflag:s4], $0x0  }
0x19: {  	s7 =	sld [smem:$0x3F9F]  }
0x1a: {  	s8 =	sadd.s32 $0xFFFFE003, lr  }
0x1b: {  	s9 =	sadd.s32 $0xFFFFFEF7, lr;
	s5 =	simm.s32 $0xFFFFFFFF;
	p2 =	slt.u32 s8, $0xFFFFF086  }
0x1c: {  	p1 =	slt.u32 s9, $0xF7A;
	s5 =	simm.s32 @!p2 $0x0  }
0x1d: {  	s5 =	simm.s32 @p1 $0x1;
	p0 =	seq.s32 s7, s2  }
0x1e: {  	s7 =	smul.u32 @!p0 $0xF7A, s2;
	p2 =	seq.s32 @!p0 s5, $0x0  }
0x1f: {  	s9 =	smul.u32 $0xF7A, s1;
	s8 =	simm.s32 @!p0 $0x1BF5;
	p2 =	por !p2, p0  }
0x20: {  	[sflag:s8] =	ssyncset.s32 @!p0 $0xFFFFF086;
	s6 =	sadd.s32 @!p0 s3, s7;
	s7 =	simm.s32 @!p0 $0x108  }
0x21: {  	s3 =	sadd.s32 s3, s9;
	s6 =	sadd.s32 @!p0 $0x88, s6;
	s7 =	simm.s32 @p2 $0x1082  }
0x22: {  	[simem:s7], [sflag:s8] =	dma.local @!p0 [hbm:s6], $0xF7A  }
0x23: {  	s9 =	sor.u32 $0xD0000000, s2;
	s6 =	simm.s32 $0x108;
	_ =	swait.ge @!p0 [sflag:s8], $0x0  }
0x24: {  	s3 =	sadd.s32 $0x88, s3;
	s6 =	simm.s32 @!p1 $0x1082;
	[sflag:s4] =	ssyncset.s32 $0xFFFFF086  }
0x25: {  	[simem:s6], [sflag:s4] =	dma.local [hbm:s3], $0xF7A  }
0x26: {  	[smem:$0x3F9F] =	sst s1;
	(tag) =	ssettag s2;
	_ =	strace s9  }
0x27: {  	s1 =	sld [smem:$0x3FAF]  }
0x28: {  	s2 =	sld [smem:$0x3FB0]  }
0x29: {  	s4 =	sld [smem:$0x3FB2]  }
0x2a: {  	p0 =	seq.s32 s5, $0x0;
	s5 =	sld [smem:$0x3FB3]  }
0x2b: {  	s6 =	sld [smem:$0x3FB4]  }
0x2c: {  	s7 =	sld [smem:$0x3FB5]  }
0x2d: {  	s3 =	simm.s32 $0x108;
	s8 =	sld [smem:$0x3FB6]  }
0x2e: {  	s3 =	simm.s32 @!p0 $0x1082;
	s9 =	sld [smem:$0x3FB7]  }
0x2f: {  	lr =	sadd.s32 s0, s3;
	s0 =	sld [smem:$0x3FAE]  }
0x30: {  	s3 =	sld [smem:$0x3FB1]  }
0x31: {  	[smem:$0x3FBA] =	sst s10  }
0x32: {  	s10 =	sld [smem:$0x3FB8];
	_ =	sdelay $0x3  }
0x33: {  	p0 =	seq.s32 s10, $0x1;
	s10 =	sld [smem:$0x3FBA];
	_ =	sdelay $0x3  }
0x34: {  	[smem:$0x3FBA] =	sst s10  }
0x35: {  	s10 =	sld [smem:$0x3FB9];
	_ =	sdelay $0x3  }
0x36: {  	p1 =	seq.s32 s10, $0x1;
	s10 =	sld [smem:$0x3FBA];
	_ =	sdelay $0x3  }
0x37: {  	[smem:$0x3FBA] =	sst s10  }
0x38: {  	s10 =	sld [smem:$0x3FBB]  }
0x39: {  	_ = 	snop;
	(pc) =	sbr.ind lr, $3  }
0x3a: {  	_ = 	snop  }
0x3b: {  	_ = 	snop  }
0x3c: {  	p2 =	seq.s32 s10, $0x1;
	s10 =	sld [smem:$0x3FBA]  }
0x3d: {  	_ =	shalt  }
0x3e: {  	_ =	shalt  }
0x3f: {  	_ =	shalt  }
0x40: {  	_ =	shalt  }
0x41: {  	_ =	shalt  }
0x42: {  	_ =	shalt  }
0x43: {  	_ =	shalt  }
0x44: {  	_ =	shalt  }
0x45: {  	_ =	shalt  }
0x46: {  	_ =	shalt  }
0x47: {  	_ =	shalt  }
0x48: {  	_ =	shalt  }
0x49: {  	_ =	shalt  }
0x4a: {  	_ =	shalt  }
0x4b: {  	_ =	shalt  }
0x4c: {  	_ =	shalt  }
0x4d: {  	_ =	shalt  }
0x4e: {  	_ =	shalt  }
0x4f: {  	_ =	shalt  }
0x50: {  	_ =	shalt  }
0x51: {  	_ =	shalt  }
0x52: {  	_ =	shalt  }
0x53: {  	_ =	shalt  }
0x54: {  	_ =	shalt  }
0x55: {  	_ =	shalt  }
0x56: {  	_ =	shalt  }
0x57: {  	_ =	shalt  }
0x58: {  	_ =	shalt  }
0x59: {  	_ =	shalt  }
0x5a: {  	_ =	shalt  }
0x5b: {  	_ =	shalt  }
0x5c: {  	_ =	shalt  }
0x5d: {  	_ =	shalt  }
0x5e: {  	_ =	shalt  }
0x5f: {  	_ =	shalt  }
0x60: {  	_ =	shalt  }
0x61: {  	_ =	shalt  }
0x62: {  	_ =	shalt  }
0x63: {  	_ =	shalt  }
0x64: {  	_ =	shalt  }
0x65: {  	_ =	shalt  }
0x66: {  	_ =	shalt  }
0x67: {  	_ =	shalt  }
0x68: {  	_ =	shalt  }
0x69: {  	_ =	shalt  }
0x6a: {  	_ =	shalt  }
0x6b: {  	_ =	shalt  }
0x6c: {  	_ =	shalt  }
0x6d: {  	_ =	shalt  }
0x6e: {  	_ =	shalt  }
0x6f: {  	_ =	shalt  }
0x70: {  	_ =	shalt  }
0x71: {  	_ =	shalt  }
0x72: {  	_ =	shalt  }
0x73: {  	_ =	shalt  }
0x74: {  	_ =	shalt  }
0x75: {  	_ =	shalt  }
0x76: {  	_ =	shalt  }
0x77: {  	_ =	shalt  }
0x78: {  	_ =	shalt  }
0x79: {  	_ =	shalt  }
0x7a: {  	_ =	shalt  }
0x7b: {  	_ =	shalt  }
0x7c: {  	_ =	shalt  }
0x7d: {  	_ =	shalt  }
0x7e: {  	_ =	shalt  }
0x7f: {  	_ =	shalt  }
0x80: {  	_ =	shalt  }
0x81: {  	_ =	shalt  }
0x82: {  	_ =	shalt  }
0x83: {  	_ =	shalt  }
0x84: {  	_ =	shalt  }
0x85: {  	_ =	shalt  }
0x86: {  	_ =	shalt  }
0x87: {  	_ =	shalt  }
.Lfunc_end0:
.L_simem_size_0:
called_computation_lowered:
.L_overlay_start_0:
0x88: {  	s2 =	sld [smem:$0x3FD9]  }
0x89: {  	s3 =	sld [smem:$0x3FFE];
	_ =	sdelay $0x1  }
0x8a: {  	s1 =	srdreg.scid  }
0x8b: {  	s0 =	sand.u32 $0x1, s1  }
0x8c: {  	s14 =	sshll.u32 s0, $0xA;
	s2 =	sadd.s32 s3, s2  }
0x8d: {  	s2 =	sadd.s32 s2, s14  }
0x8e: {  	[smem:$0x3FC6] =	sst s2  }
0x8f: {  	_ = 	snop  }
0x90: {  	s2 =	sld [smem:$0x3FD0];
	_ =	sdelay $0x2  }
0x91: {  	s15 =	simm.s32 $0xA;
	s4 =	simm.s32 $0x10  }
0x92: {  	[smem:s4], [sflag:s15] =	dma.local [hbm:s2], $0x1  }
0x93: {  	_ =	swait.eq [sflag:s15], $0x1  }
0x94: {  	[sflag:s15] =	ssyncset.done $0x0  }
0x95: {  	s16 =	sld [smem:$0x10];
	[sflag:s15] =	ssyncadd.s32 $0xFFFFFFFF  }
0x96: {  	s17 =	sld [smem:$0x11];
	(tm) =	ssettm $0x1  }
0x97: {  	s18 =	sld [smem:$0x3FFB];
	_ =	sdelay $0x3  }
0x98: {  	_ =	strace s18  }
0x99: {  	s4 =	sld [smem:$0x3FFC];
	_ =	sdelay $0x3  }
0x9a: {  	_ =	strace s4  }
0x9b: {  	s4 =	sld [smem:$0x3FFD];
	_ =	sdelay $0x3  }
0x9c: {  	_ =	strace s4  }
0x9d: {  	_ =	strace $0x8FFFFFFF  }
0x9e: {  	s19 =	sld [smem:$0x3FDB];
	_ =	sdelay $0x1  }
0x9f: {  	s5 =	simm.s32 $_scs_section_size  }
0xa0: {  	s6 =	simm.s32 $_size__tile_overlayer_lowered;
	s7 =	simm.s32 $_tile_overlayer_lowered  }
0xa1: {  	s22 =	simm.s32 $0x1BFF;
	s21 =	sshll.u32 s7, $0x1;
	s4 =	sadd.s32 s5, s19  }
0xa2: {  	s8 =	simm.s32 $0x0;
	s20 =	sshll.u32 s6, $0x1;
	s6 =	sadd.s32 s21, s4  }
0xa3: {  	[timem:s8], [sflag:s22] =	dma.local [hbm:s6], s20  }
0xa4: {  	_ =	swait.ge [sflag:s22], s20  }
0xa5: {  	s5 =	ssub.s32 $0x0, s20;
	[sflag:s22] =	ssyncset.done $0x0  }
0xa6: {  	[sflag:s22] =	ssyncadd.s32 s5;
	_ =	sdelay $0x1  }
0xa7: {  	s23 =	simm.s32 $0x1B8B  }
0xa8: {  	_ =	swait.ge [sflag:s23], $0x1  }
0xa9: {  	[sflag:s23] =	ssyncset.done $0x0  }
0xaa: {  	s25 =	simm.s32 $0x1B8E;
	s24 =	sld [smem:$0x3FFE];
	[sflag:s23] =	ssyncadd.s32 $0xFFFFFFFF  }
0xab: {  	s26 =	simm.s32 $execute0_lowered;
	[smem:$0x3FD2] =	sst s25  }
0xac: {  	s6 =	sshll.u32 s26, $0x1;
	_ =	strace $0x80000046;
	[dreg:$0x1] =	wrdreg $0xFFFFFFFF  }
0xad: {  	s28 =	simm.s32 $_size_execute0_lowered;
	s4 =	sadd.s32 s4, s6;
	[dreg:$0x0] =	wrdreg $0x0  }
0xae: {  	s6 =	sshll.u32 s28, $0x1;
	[dreg:$0x2] =	wrdreg s4  }
0xaf: {  	[dreg:$0x3] =	wrdreg s6  }
0xb0: {  	[dreg:$0x4] =	wrdreg $0xC0  }
0xb1: {  	_ =	task [dreg:s8], $0x5FFFF  }
0xb2: {  	[dreg:$0x1] =	wrdreg $0xFFFFFFFF  }
0xb3: {  	[dreg:$0x0] =	wrdreg $0x60  }
0xb4: {  	[dreg:$0x2] =	wrdreg s24  }
0xb5: {  	[dreg:$0x3] =	wrdreg s16  }
0xb6: {  	[dreg:$0x4] =	wrdreg s17  }
0xb7: {  	[dreg:$0x5] =	wrdreg $0x9  }
0xb8: {  	_ =	task.clear_ibuf [dreg:s8], $0x6FFFF;
	_ =	strace $0x90000046  }
0xb9: {  	s29 =	simm.s32 $0x9;
	_ =	strace $0x80000048  }
0xba: {  	_ =	swait.ge [sflag:s29], $0x1  }
0xbb: {  	[sflag:s29] =	ssyncadd.s32 $0xFFFFFFFF  }
0xbc: {  	_ =	strace $0x90000048  }
0xbd: {  	_ =	sfence  }
0xbe: {  	s30 =	sld [smem:$0x0];
	_ =	sdelay $0x2  }
0xbf: {  	s31 =	sshll.u32 s1, $0xD;
	s1 =	sshrl.u32 s1, $0x2  }
0xc0: {  	s3 =	sand.u32 $0x4000, s31;
	s1 =	sadd.s32 s1, s30  }
0xc1: {  	s0 =	sor.u32 s3, s0;
	s1 =	sshll.u32 s1, $0x11  }
0xc2: {  	s0 =	sor.u32 s1, s0  }
0xc3: {  	s0 =	sadd.s32 $0x8F2B, s0  }
0xc4: {  	[sflag:s0] =	ssyncadd.remote.s32 $0x1  }
0xc5: {  	_ =	sfence.sel $0xFFFF  }
0xc6: {  	[dreg:$0x0] =	wrdreg $0xFFFFFFFF;
	(pc) =	sbr.abs _section_cstart, $3  }
0xc7: {  	[dreg:$0x1] =	wrdreg $0xFFFFFFFF  }
0xc8: {  	_ =	task.clear_ibuf [dreg:s8], $0x2FFFF;
	_ =	strace $0x9FFFFFFF  }
0xc9: {  	(tm) =	ssettm $0x7FFFFFFF  }
tec
execute0_lowered:
.L_overlay_start_1:
0x0: {  	(tag) =	ssettag $0x1  }
0x1: {  	v1 =	vlaneseq.u32  }
0x2: {  	v0 =	vshrl.u32 v1, $0x1  }
0x3: {  	v0 =	vmul.u32 $0x68, v0  }
0x4: {  	s3 =	rddreg [dreg:$0x0];
	v2 =	vand.u32 $0x1, v1  }
0x5: {  	s6 =	rddreg [dreg:$0x1];
	v1 =	vmul.u32 $0x3FD, v1;
	v2 =	vmul.u32 $0x32, v2;
	v3 =	vadd.s32 $0x340, v0  }
0x6: {  	s1 =	srdreg.scid;
	s0 =	stileid.u32;
	v4 =	vadd.s32 $0x680, v0;
	v5 =	vadd.s32 $0x9C0, v0;
	v6 =	vadd.s32 $0xD00, v0  }
0x7: {  	s7 =	rddreg [dreg:$0x2];
	s2 =	simm.s32 $0x0;
	s11 =	simm.s32 $0x1;
	v7 =	vadd.s32 $0x1040, v0;
	v8 =	vadd.s32 $0x1380, v0;
	v9 =	vadd.s32 $0x16C0, v0  }
0x8: {  	s12 =	simm.s32 $0x6400;
	s13 =	simm.s32 $0xC800;
	s14 =	simm.s32 $0x13000;
	v10 =	vadd.s32 $0x1A00, v0;
	v11 =	vadd.s32 $0x1D40, v0;
	v12 =	vadd.s32 $0x2080, v0  }
0x9: {  	s4 =	sand.u32 $0x1, s1;
	s5 =	sshll.u32 s0, $0x1;
	s1 =	rddreg [dreg:$0x3];
	v13 =	vadd.s32 $0x23C0, v0;
	v14 =	vadd.s32 $0x2700, v0;
	v15 =	vadd.s32 $0x2A40, v0  }
0xa: {  	s15 =	simm.s32 $0x0;
	[smem:$0x7FF] =	sst s2;
	s5 =	sor.u32 s4, s5;
	v16 =	vadd.s32 $0x2D80, v0;
	v17 =	vadd.s32 $0x30C0, v0;
	v18 =	vor.u32 $0x3400, v0  }
0xb: {  	s4 =	ssub.s32 $0x2, s4;
	_ =	strace $0x80000047;
	s8 =	sshll.u32 s5, $0x6;
	v19 =	vadd.s32 $0x3740, v0;
	v20 =	vadd.s32 $0x3A80, v0;
	v21 =	vadd.s32 $0x3DC0, v0  }
0xc: {  	s31 =	sshrl.u32 s4, $0x1;
	s9 =	smul.u32 $0xD00, s5;
	s8 =	sadd.s32 s8, s3;
	v22 =	vadd.s32 $0x4100, v0;
	v23 =	vadd.s32 $0x4440, v0;
	v24 =	vadd.s32 $0x4780, v0  }
0xd: {  	s5 =	smul.u32 $0x25, s5;
	s10 =	ssub.s32 s4, s31;
	v25 =	vadd.s32 $0x4AC0, v0;
	v26 =	vadd.s32 $0x4E00, v0;
	v27 =	vadd.s32 $0x5140, v0;
	s3 =	sadd.s32 $0xC00, s8  }
0xe: {  	v28 =	vadd.s32 $0x5480, v0;
	v29 =	vadd.s32 $0x57C0, v0;
	v30 =	vadd.s32 $0x5B00, v0;
	s4 =	sadd.s32 $0x1CC00, s8;
	s6 =	sadd.s32 s6, s9;
	s7 =	sadd.s32 s7, s9  }
0xf: {  	v31 =	vadd.s32 $0x5E40, v0;
	v32 =	vadd.s32 $0x6180, v0;
	v33 =	vadd.s32 $0x64C0, v0;
	s8 =	smax.u32 s10, $0x1;
	s9 =	simm.s32 $0x200;
	s10 =	simm.s32 $0x4000  }
.LBB2_1:
0x10: {  	[tilespmem:s2], [sflag:$0x1] =	stream.strided.gather [hbm4b:s3+s9], $0x6400, s10, s9, $0x38;
	[tilespmem:$0x19800] =	vst v63  }
0x11: {  	_ =	swait.ge [sflag:s11], $0x6400  }
0x12: {  	[sflag:s11] =	ssyncset.done $0x0  }
0x13: {  	[sflag:s11] =	ssyncadd.s32 $0xFFFF9C00  }
0x14: {  	[tilespmem:s12], [sflag:$0x1] =	stream.strided.gather [hbm4b:s4+s9], $0x6400, s10, s9, $0x38;
	[tilespmem:$0x19800] =	vst v63  }
0x15: {  	_ =	swait.ge [sflag:s11], $0x6400  }
0x16: {  	[sflag:s11] =	ssyncset.done $0x0  }
0x17: {  	s16 =	simm.s32 $0xC858;
	s17 =	simm.s32 $0x0;
	[sflag:s11] =	ssyncadd.s32 $0xFFFF9C00  }
.LBB2_2:
0x18: {  	p0 =	sne.s32 s17, $0x34CB  }
.Ltmp0:
0x19: {  	_ = 	snop;
	(pc) =	sbr.rel @p0 .LBB2_2-.Ltmp0, $4  }
0x1a: {  	_ = 	snop  }
0x1b: {  	s18 =	sadd.s32 s5, s17  }
0x1c: {  	v34 =	vadd.s32 s18, v1  }
0x1d: {  	s17 =	sadd.s32 $0x35, s17;
	[tilespmem:s16+$0x0] =	vst v34;
	s16 =	sadd.s32 $0x68, s16  }
0x1e: {  	s16 =	simm.s32 $0x0;
	s17 =	simm.s32 $0x6500;
	s18 =	simm.s32 $0x100  }
.LBB2_4:
0x1f: {  	v35 =	vld [tilespmem:s18+$0xFFFFFF00];
	_ =	sdelay $0x1  }
0x20: {  	v34 =	vadd.s32 s16, v2  }
0x21: {  	v34 =	vand.u32 $0x7F, v34  }
0x22: {  	v36 =	vadd.s32 v0, v34  }
0x23: {  	v37 =	vshll.u32 v35, $0x2  }
0x24: {  	v38 =	vand.u32 $0xFFFFE000, v35;
	v35 =	vshrl.u32 v35, $0xB;
	v37 =	vand.u32 $0x1FFC, v37  }
0x25: {  	v35 =	vand.u32 $0x3, v35;
	v37 =	vor.u32 v38, v37  }
0x26: {  	v35 =	vor.u32 v35, v37  }
0x27: {  	[tilespmem:v36+s13+$0x0] =	vst.idx.msk $0xffff, v35  }
0x28: {  	v35 =	vld [tilespmem:s17+$0xFFFFFF00];
	_ =	sdelay $0x4  }
0x29: {  	[tilespmem:v36+s14+$0x0] =	vst.idx.msk $0xffff, v35  }
0x2a: {  	v35 =	vld [tilespmem:s18+$0xFFFFFF10];
	_ =	sdelay $0x3  }
0x2b: {  	v44 =	vadd.s32 v3, v34  }
0x2c: {  	v45 =	vshll.u32 v35, $0x2  }
0x2d: {  	v46 =	vand.u32 $0xFFFFE000, v35;
	v35 =	vshrl.u32 v35, $0xB;
	v37 =	vand.u32 $0x1FFC, v45  }
0x2e: {  	v35 =	vand.u32 $0x3, v35;
	v37 =	vor.u32 v46, v37  }
0x2f: {  	v35 =	vor.u32 v35, v37  }
0x30: {  	[tilespmem:v44+s13+$0x0] =	vst.idx.msk $0xffff, v35  }
0x31: {  	v35 =	vld [tilespmem:s17+$0xFFFFFF10];
	_ =	sdelay $0x4  }
0x32: {  	[tilespmem:v44+s14+$0x0] =	vst.idx.msk $0xffff, v35  }
0x33: {  	v35 =	vld [tilespmem:s18+$0xFFFFFF20];
	_ =	sdelay $0x3  }
0x34: {  	v47 =	vadd.s32 v4, v34  }
0x35: {  	v48 =	vshll.u32 v35, $0x2  }
0x36: {  	v49 =	vand.u32 $0xFFFFE000, v35;
	v35 =	vshrl.u32 v35, $0xB;
	v37 =	vand.u32 $0x1FFC, v48  }
0x37: {  	v35 =	vand.u32 $0x3, v35;
	v37 =	vor.u32 v49, v37  }
0x38: {  	v35 =	vor.u32 v35, v37  }
0x39: {  	[tilespmem:v47+s13+$0x0] =	vst.idx.msk $0xffff, v35  }
0x3a: {  	v35 =	vld [tilespmem:s17+$0xFFFFFF20];
	_ =	sdelay $0x4  }
0x3b: {  	[tilespmem:v47+s14+$0x0] =	vst.idx.msk $0xffff, v35  }
0x3c: {  	v35 =	vld [tilespmem:s18+$0xFFFFFF30];
	_ =	sdelay $0x3  }
0x3d: {  	v50 =	vadd.s32 v5, v34  }
0x3e: {  	v51 =	vshll.u32 v35, $0x2  }
0x3f: {  	v52 =	vand.u32 $0xFFFFE000, v35;
	v35 =	vshrl.u32 v35, $0xB;
	v37 =	vand.u32 $0x1FFC, v51  }
0x40: {  	v35 =	vand.u32 $0x3, v35;
	v37 =	vor.u32 v52, v37  }
0x41: {  	v35 =	vor.u32 v35, v37  }
0x42: {  	[tilespmem:v50+s13+$0x0] =	vst.idx.msk $0xffff, v35  }
0x43: {  	v35 =	vld [tilespmem:s17+$0xFFFFFF30];
	_ =	sdelay $0x4  }
0x44: {  	[tilespmem:v50+s14+$0x0] =	vst.idx.msk $0xffff, v35  }
0x45: {  	v35 =	vld [tilespmem:s18+$0xFFFFFF40];
	_ =	sdelay $0x3  }
0x46: {  	v53 =	vadd.s32 v6, v34  }
0x47: {  	v54 =	vshll.u32 v35, $0x2  }
0x48: {  	v55 =	vand.u32 $0xFFFFE000, v35;
	v35 =	vshrl.u32 v35, $0xB;
	v37 =	vand.u32 $0x1FFC, v54  }
0x49: {  	v35 =	vand.u32 $0x3, v35;
	v37 =	vor.u32 v55, v37  }
0x4a: {  	v35 =	vor.u32 v35, v37  }
0x4b: {  	[tilespmem:v53+s13+$0x0] =	vst.idx.msk $0xffff, v35  }
0x4c: {  	v35 =	vld [tilespmem:s17+$0xFFFFFF40];
	_ =	sdelay $0x4  }
0x4d: {  	[tilespmem:v53+s14+$0x0] =	vst.idx.msk $0xffff, v35  }
0x4e: {  	v35 =	vld [tilespmem:s18+$0xFFFFFF50];
	_ =	sdelay $0x3  }
0x4f: {  	v56 =	vadd.s32 v7, v34  }
0x50: {  	v57 =	vshll.u32 v35, $0x2  }
0x51: {  	v58 =	vand.u32 $0xFFFFE000, v35;
	v35 =	vshrl.u32 v35, $0xB;
	v37 =	vand.u32 $0x1FFC, v57  }
0x52: {  	v35 =	vand.u32 $0x3, v35;
	v37 =	vor.u32 v58, v37  }
0x53: {  	v35 =	vor.u32 v35, v37  }
0x54: {  	[tilespmem:v56+s13+$0x0] =	vst.idx.msk $0xffff, v35  }
0x55: {  	v35 =	vld [tilespmem:s17+$0xFFFFFF50];
	_ =	sdelay $0x4  }
0x56: {  	[tilespmem:v56+s14+$0x0] =	vst.idx.msk $0xffff, v35  }
0x57: {  	v35 =	vld [tilespmem:s18+$0xFFFFFF60];
	_ =	sdelay $0x3  }
0x58: {  	v59 =	vadd.s32 v8, v34  }
0x59: {  	v60 =	vshll.u32 v35, $0x2  }
0x5a: {  	v61 =	vand.u32 $0xFFFFE000, v35;
	v35 =	vshrl.u32 v35, $0xB;
	v37 =	vand.u32 $0x1FFC, v60  }
0x5b: {  	v35 =	vand.u32 $0x3, v35;
	v37 =	vor.u32 v61, v37  }
0x5c: {  	v35 =	vor.u32 v35, v37  }
0x5d: {  	[tilespmem:v59+s13+$0x0] =	vst.idx.msk $0xffff, v35  }
0x5e: {  	v35 =	vld [tilespmem:s17+$0xFFFFFF60];
	_ =	sdelay $0x4  }
0x5f: {  	[tilespmem:v59+s14+$0x0] =	vst.idx.msk $0xffff, v35  }
0x60: {  	v35 =	vld [tilespmem:s18+$0xFFFFFF70];
	_ =	sdelay $0x3  }
0x61: {  	v62 =	vadd.s32 v9, v34  }
0x62: {  	v63 =	vshll.u32 v35, $0x2  }
0x63: {  	v40 =	vand.u32 $0xFFFFE000, v35;
	v35 =	vshrl.u32 v35, $0xB;
	v37 =	vand.u32 $0x1FFC, v63  }
0x64: {  	v35 =	vand.u32 $0x3, v35;
	v37 =	vor.u32 v40, v37  }
0x65: {  	v35 =	vor.u32 v35, v37  }
0x66: {  	[tilespmem:v62+s13+$0x0] =	vst.idx.msk $0xffff, v35  }
0x67: {  	v35 =	vld [tilespmem:s17+$0xFFFFFF70];
	_ =	sdelay $0x4  }
0x68: {  	[tilespmem:v62+s14+$0x0] =	vst.idx.msk $0xffff, v35  }
0x69: {  	v35 =	vld [tilespmem:s18+$0xFFFFFF80];
	_ =	sdelay $0x3  }
0x6a: {  	v41 =	vadd.s32 v10, v34  }
0x6b: {  	v42 =	vshll.u32 v35, $0x2  }
0x6c: {  	v43 =	vand.u32 $0xFFFFE000, v35;
	v35 =	vshrl.u32 v35, $0xB;
	v37 =	vand.u32 $0x1FFC, v42  }
0x6d: {  	v35 =	vand.u32 $0x3, v35;
	v37 =	vor.u32 v43, v37  }
0x6e: {  	v35 =	vor.u32 v35, v37  }
0x6f: {  	[tilespmem:v41+s13+$0x0] =	vst.idx.msk $0xffff, v35  }
0x70: {  	v35 =	vld [tilespmem:s17+$0xFFFFFF80];
	_ =	sdelay $0x4  }
0x71: {  	[tilespmem:v41+s14+$0x0] =	vst.idx.msk $0xffff, v35  }
0x72: {  	v35 =	vld [tilespmem:s18+$0xFFFFFF90];
	_ =	sdelay $0x3  }
0x73: {  	v44 =	vadd.s32 v11, v34  }
0x74: {  	v45 =	vshll.u32 v35, $0x2  }
0x75: {  	v46 =	vand.u32 $0xFFFFE000, v35;
	v35 =	vshrl.u32 v35, $0xB;
	v37 =	vand.u32 $0x1FFC, v45  }
0x76: {  	v35 =	vand.u32 $0x3, v35;
	v37 =	vor.u32 v46, v37  }
0x77: {  	v35 =	vor.u32 v35, v37  }
0x78: {  	[tilespmem:v44+s13+$0x0] =	vst.idx.msk $0xffff, v35  }
0x79: {  	v35 =	vld [tilespmem:s17+$0xFFFFFF90];
	_ =	sdelay $0x4  }
0x7a: {  	[tilespmem:v44+s14+$0x0] =	vst.idx.msk $0xffff, v35  }
0x7b: {  	v35 =	vld [tilespmem:s18+$0xFFFFFFA0];
	_ =	sdelay $0x3  }
0x7c: {  	v47 =	vadd.s32 v12, v34  }
0x7d: {  	v48 =	vshll.u32 v35, $0x2  }
0x7e: {  	v49 =	vand.u32 $0xFFFFE000, v35;
	v35 =	vshrl.u32 v35, $0xB;
	v37 =	vand.u32 $0x1FFC, v48  }
0x7f: {  	v35 =	vand.u32 $0x3, v35;
	v37 =	vor.u32 v49, v37  }
0x80: {  	v35 =	vor.u32 v35, v37  }
0x81: {  	[tilespmem:v47+s13+$0x0] =	vst.idx.msk $0xffff, v35  }
0x82: {  	v35 =	vld [tilespmem:s17+$0xFFFFFFA0];
	_ =	sdelay $0x4  }
0x83: {  	[tilespmem:v47+s14+$0x0] =	vst.idx.msk $0xffff, v35  }
0x84: {  	v35 =	vld [tilespmem:s18+$0xFFFFFFB0];
	_ =	sdelay $0x3  }
0x85: {  	v50 =	vadd.s32 v13, v34  }
0x86: {  	v51 =	vshll.u32 v35, $0x2  }
0x87: {  	v52 =	vand.u32 $0xFFFFE000, v35;
	v35 =	vshrl.u32 v35, $0xB;
	v37 =	vand.u32 $0x1FFC, v51  }
0x88: {  	v35 =	vand.u32 $0x3, v35;
	v37 =	vor.u32 v52, v37  }
0x89: {  	v35 =	vor.u32 v35, v37  }
0x8a: {  	[tilespmem:v50+s13+$0x0] =	vst.idx.msk $0xffff, v35  }
0x8b: {  	v35 =	vld [tilespmem:s17+$0xFFFFFFB0];
	_ =	sdelay $0x4  }
0x8c: {  	[tilespmem:v50+s14+$0x0] =	vst.idx.msk $0xffff, v35  }
0x8d: {  	v35 =	vld [tilespmem:s18+$0xFFFFFFC0];
	_ =	sdelay $0x3  }
0x8e: {  	v53 =	vadd.s32 v14, v34  }
0x8f: {  	v54 =	vshll.u32 v35, $0x2  }
0x90: {  	v55 =	vand.u32 $0xFFFFE000, v35;
	v35 =	vshrl.u32 v35, $0xB;
	v37 =	vand.u32 $0x1FFC, v54  }
0x91: {  	v35 =	vand.u32 $0x3, v35;
	v37 =	vor.u32 v55, v37  }
0x92: {  	v35 =	vor.u32 v35, v37  }
0x93: {  	[tilespmem:v53+s13+$0x0] =	vst.idx.msk $0xffff, v35  }
0x94: {  	v35 =	vld [tilespmem:s17+$0xFFFFFFC0];
	_ =	sdelay $0x4  }
0x95: {  	[tilespmem:v53+s14+$0x0] =	vst.idx.msk $0xffff, v35  }
0x96: {  	v35 =	vld [tilespmem:s18+$0xFFFFFFD0];
	_ =	sdelay $0x3  }
0x97: {  	v56 =	vadd.s32 v15, v34  }
0x98: {  	v57 =	vshll.u32 v35, $0x2  }
0x99: {  	v58 =	vand.u32 $0xFFFFE000, v35;
	v35 =	vshrl.u32 v35, $0xB;
	v37 =	vand.u32 $0x1FFC, v57  }
0x9a: {  	v35 =	vand.u32 $0x3, v35;
	v37 =	vor.u32 v58, v37  }
0x9b: {  	v35 =	vor.u32 v35, v37  }
0x9c: {  	[tilespmem:v56+s13+$0x0] =	vst.idx.msk $0xffff, v35  }
0x9d: {  	v35 =	vld [tilespmem:s17+$0xFFFFFFD0];
	_ =	sdelay $0x4  }
0x9e: {  	[tilespmem:v56+s14+$0x0] =	vst.idx.msk $0xffff, v35  }
0x9f: {  	v35 =	vld [tilespmem:s18+$0xFFFFFFE0];
	_ =	sdelay $0x3  }
0xa0: {  	v59 =	vadd.s32 v16, v34  }
0xa1: {  	v60 =	vshll.u32 v35, $0x2  }
0xa2: {  	v61 =	vand.u32 $0xFFFFE000, v35;
	v35 =	vshrl.u32 v35, $0xB;
	v37 =	vand.u32 $0x1FFC, v60  }
0xa3: {  	v35 =	vand.u32 $0x3, v35;
	v37 =	vor.u32 v61, v37  }
0xa4: {  	v35 =	vor.u32 v35, v37  }
0xa5: {  	[tilespmem:v59+s13+$0x0] =	vst.idx.msk $0xffff, v35  }
0xa6: {  	v35 =	vld [tilespmem:s17+$0xFFFFFFE0];
	_ =	sdelay $0x4  }
0xa7: {  	[tilespmem:v59+s14+$0x0] =	vst.idx.msk $0xffff, v35  }
0xa8: {  	v35 =	vld [tilespmem:s18+$0xFFFFFFF0];
	_ =	sdelay $0x3  }
0xa9: {  	v62 =	vadd.s32 v17, v34  }
0xaa: {  	v63 =	vshll.u32 v35, $0x2  }
0xab: {  	v40 =	vand.u32 $0xFFFFE000, v35;
	v35 =	vshrl.u32 v35, $0xB;
	v37 =	vand.u32 $0x1FFC, v63  }
0xac: {  	v35 =	vand.u32 $0x3, v35;
	v37 =	vor.u32 v40, v37  }
0xad: {  	v35 =	vor.u32 v35, v37  }
0xae: {  	[tilespmem:v62+s13+$0x0] =	vst.idx.msk $0xffff, v35  }
0xaf: {  	v35 =	vld [tilespmem:s17+$0xFFFFFFF0];
	_ =	sdelay $0x4  }
0xb0: {  	[tilespmem:v62+s14+$0x0] =	vst.idx.msk $0xffff, v35  }
0xb1: {  	v35 =	vld [tilespmem:s18+$0x0];
	_ =	sdelay $0x3  }
0xb2: {  	v41 =	vadd.s32 v18, v34  }
0xb3: {  	v42 =	vshll.u32 v35, $0x2  }
0xb4: {  	v43 =	vand.u32 $0xFFFFE000, v35;
	v35 =	vshrl.u32 v35, $0xB;
	v37 =	vand.u32 $0x1FFC, v42  }
0xb5: {  	v35 =	vand.u32 $0x3, v35;
	v37 =	vor.u32 v43, v37  }
0xb6: {  	v35 =	vor.u32 v35, v37  }
0xb7: {  	[tilespmem:v41+s13+$0x0] =	vst.idx.msk $0xffff, v35  }
0xb8: {  	v35 =	vld [tilespmem:s17+$0x0];
	_ =	sdelay $0x4  }
0xb9: {  	[tilespmem:v41+s14+$0x0] =	vst.idx.msk $0xffff, v35  }
0xba: {  	v35 =	vld [tilespmem:s18+$0x10];
	_ =	sdelay $0x3  }
0xbb: {  	v44 =	vadd.s32 v19, v34  }
0xbc: {  	v45 =	vshll.u32 v35, $0x2  }
0xbd: {  	v46 =	vand.u32 $0xFFFFE000, v35;
	v35 =	vshrl.u32 v35, $0xB;
	v37 =	vand.u32 $0x1FFC, v45  }
0xbe: {  	v35 =	vand.u32 $0x3, v35;
	v37 =	vor.u32 v46, v37  }
0xbf: {  	v35 =	vor.u32 v35, v37  }
0xc0: {  	[tilespmem:v44+s13+$0x0] =	vst.idx.msk $0xffff, v35  }
0xc1: {  	v35 =	vld [tilespmem:s17+$0x10];
	_ =	sdelay $0x4  }
0xc2: {  	[tilespmem:v44+s14+$0x0] =	vst.idx.msk $0xffff, v35  }
0xc3: {  	v35 =	vld [tilespmem:s18+$0x20];
	_ =	sdelay $0x3  }
0xc4: {  	v47 =	vadd.s32 v20, v34  }
0xc5: {  	v48 =	vshll.u32 v35, $0x2  }
0xc6: {  	v49 =	vand.u32 $0xFFFFE000, v35;
	v35 =	vshrl.u32 v35, $0xB;
	v37 =	vand.u32 $0x1FFC, v48  }
0xc7: {  	v35 =	vand.u32 $0x3, v35;
	v37 =	vor.u32 v49, v37  }
0xc8: {  	v35 =	vor.u32 v35, v37  }
0xc9: {  	[tilespmem:v47+s13+$0x0] =	vst.idx.msk $0xffff, v35  }
0xca: {  	v35 =	vld [tilespmem:s17+$0x20];
	_ =	sdelay $0x4  }
0xcb: {  	[tilespmem:v47+s14+$0x0] =	vst.idx.msk $0xffff, v35  }
0xcc: {  	v35 =	vld [tilespmem:s18+$0x30];
	_ =	sdelay $0x3  }
0xcd: {  	v50 =	vadd.s32 v21, v34  }
0xce: {  	v51 =	vshll.u32 v35, $0x2  }
0xcf: {  	v52 =	vand.u32 $0xFFFFE000, v35;
	v35 =	vshrl.u32 v35, $0xB;
	v37 =	vand.u32 $0x1FFC, v51  }
0xd0: {  	v35 =	vand.u32 $0x3, v35;
	v37 =	vor.u32 v52, v37  }
0xd1: {  	v35 =	vor.u32 v35, v37  }
0xd2: {  	[tilespmem:v50+s13+$0x0] =	vst.idx.msk $0xffff, v35  }
0xd3: {  	v35 =	vld [tilespmem:s17+$0x30];
	_ =	sdelay $0x4  }
0xd4: {  	[tilespmem:v50+s14+$0x0] =	vst.idx.msk $0xffff, v35  }
0xd5: {  	v35 =	vld [tilespmem:s18+$0x40];
	_ =	sdelay $0x3  }
0xd6: {  	v53 =	vadd.s32 v22, v34  }
0xd7: {  	v54 =	vshll.u32 v35, $0x2  }
0xd8: {  	v55 =	vand.u32 $0xFFFFE000, v35;
	v35 =	vshrl.u32 v35, $0xB;
	v37 =	vand.u32 $0x1FFC, v54  }
0xd9: {  	v35 =	vand.u32 $0x3, v35;
	v37 =	vor.u32 v55, v37  }
0xda: {  	v35 =	vor.u32 v35, v37  }
0xdb: {  	[tilespmem:v53+s13+$0x0] =	vst.idx.msk $0xffff, v35  }
0xdc: {  	v35 =	vld [tilespmem:s17+$0x40];
	_ =	sdelay $0x4  }
0xdd: {  	[tilespmem:v53+s14+$0x0] =	vst.idx.msk $0xffff, v35  }
0xde: {  	v35 =	vld [tilespmem:s18+$0x50];
	_ =	sdelay $0x3  }
0xdf: {  	v56 =	vadd.s32 v23, v34  }
0xe0: {  	v57 =	vshll.u32 v35, $0x2  }
0xe1: {  	v58 =	vand.u32 $0xFFFFE000, v35;
	v35 =	vshrl.u32 v35, $0xB;
	v37 =	vand.u32 $0x1FFC, v57  }
0xe2: {  	v35 =	vand.u32 $0x3, v35;
	v37 =	vor.u32 v58, v37  }
0xe3: {  	v35 =	vor.u32 v35, v37  }
0xe4: {  	[tilespmem:v56+s13+$0x0] =	vst.idx.msk $0xffff, v35  }
0xe5: {  	v35 =	vld [tilespmem:s17+$0x50];
	_ =	sdelay $0x4  }
0xe6: {  	[tilespmem:v56+s14+$0x0] =	vst.idx.msk $0xffff, v35  }
0xe7: {  	v35 =	vld [tilespmem:s18+$0x60];
	_ =	sdelay $0x3  }
0xe8: {  	v59 =	vadd.s32 v24, v34  }
0xe9: {  	v60 =	vshll.u32 v35, $0x2  }
0xea: {  	v61 =	vand.u32 $0xFFFFE000, v35;
	v35 =	vshrl.u32 v35, $0xB;
	v37 =	vand.u32 $0x1FFC, v60  }
0xeb: {  	v35 =	vand.u32 $0x3, v35;
	v37 =	vor.u32 v61, v37  }
0xec: {  	v35 =	vor.u32 v35, v37  }
0xed: {  	[tilespmem:v59+s13+$0x0] =	vst.idx.msk $0xffff, v35  }
0xee: {  	v35 =	vld [tilespmem:s17+$0x60];
	_ =	sdelay $0x4  }
0xef: {  	[tilespmem:v59+s14+$0x0] =	vst.idx.msk $0xffff, v35  }
0xf0: {  	v35 =	vld [tilespmem:s18+$0x70];
	_ =	sdelay $0x3  }
0xf1: {  	v62 =	vadd.s32 v25, v34  }
0xf2: {  	v63 =	vshll.u32 v35, $0x2  }
0xf3: {  	v40 =	vand.u32 $0xFFFFE000, v35;
	v35 =	vshrl.u32 v35, $0xB;
	v37 =	vand.u32 $0x1FFC, v63  }
0xf4: {  	v35 =	vand.u32 $0x3, v35;
	v37 =	vor.u32 v40, v37  }
0xf5: {  	v35 =	vor.u32 v35, v37  }
0xf6: {  	[tilespmem:v62+s13+$0x0] =	vst.idx.msk $0xffff, v35  }
0xf7: {  	v35 =	vld [tilespmem:s17+$0x70];
	_ =	sdelay $0x4  }
0xf8: {  	[tilespmem:v62+s14+$0x0] =	vst.idx.msk $0xffff, v35  }
0xf9: {  	v35 =	vld [tilespmem:s18+$0x80];
	_ =	sdelay $0x3  }
0xfa: {  	v41 =	vadd.s32 v26, v34  }
0xfb: {  	v42 =	vshll.u32 v35, $0x2  }
0xfc: {  	v43 =	vand.u32 $0xFFFFE000, v35;
	v35 =	vshrl.u32 v35, $0xB;
	v37 =	vand.u32 $0x1FFC, v42  }
0xfd: {  	v35 =	vand.u32 $0x3, v35;
	v37 =	vor.u32 v43, v37  }
0xfe: {  	v35 =	vor.u32 v35, v37  }
0xff: {  	[tilespmem:v41+s13+$0x0] =	vst.idx.msk $0xffff, v35  }
0x100: {  	v35 =	vld [tilespmem:s17+$0x80];
	_ =	sdelay $0x4  }
0x101: {  	[tilespmem:v41+s14+$0x0] =	vst.idx.msk $0xffff, v35  }
0x102: {  	v35 =	vld [tilespmem:s18+$0x90];
	_ =	sdelay $0x3  }
0x103: {  	v44 =	vadd.s32 v27, v34  }
0x104: {  	v45 =	vshll.u32 v35, $0x2  }
0x105: {  	v46 =	vand.u32 $0xFFFFE000, v35;
	v35 =	vshrl.u32 v35, $0xB;
	v37 =	vand.u32 $0x1FFC, v45  }
0x106: {  	v35 =	vand.u32 $0x3, v35;
	v37 =	vor.u32 v46, v37  }
0x107: {  	v35 =	vor.u32 v35, v37  }
0x108: {  	[tilespmem:v44+s13+$0x0] =	vst.idx.msk $0xffff, v35  }
0x109: {  	v35 =	vld [tilespmem:s17+$0x90];
	_ =	sdelay $0x4  }
0x10a: {  	[tilespmem:v44+s14+$0x0] =	vst.idx.msk $0xffff, v35  }
0x10b: {  	v35 =	vld [tilespmem:s18+$0xA0];
	_ =	sdelay $0x3  }
0x10c: {  	v47 =	vadd.s32 v28, v34  }
0x10d: {  	v48 =	vshll.u32 v35, $0x2  }
0x10e: {  	v49 =	vand.u32 $0xFFFFE000, v35;
	v35 =	vshrl.u32 v35, $0xB;
	v37 =	vand.u32 $0x1FFC, v48  }
0x10f: {  	v35 =	vand.u32 $0x3, v35;
	v37 =	vor.u32 v49, v37  }
0x110: {  	v35 =	vor.u32 v35, v37  }
0x111: {  	[tilespmem:v47+s13+$0x0] =	vst.idx.msk $0xffff, v35  }
0x112: {  	v35 =	vld [tilespmem:s17+$0xA0];
	_ =	sdelay $0x4  }
0x113: {  	[tilespmem:v47+s14+$0x0] =	vst.idx.msk $0xffff, v35  }
0x114: {  	v35 =	vld [tilespmem:s18+$0xB0];
	_ =	sdelay $0x3  }
0x115: {  	v50 =	vadd.s32 v29, v34  }
0x116: {  	v51 =	vshll.u32 v35, $0x2  }
0x117: {  	v52 =	vand.u32 $0xFFFFE000, v35;
	v35 =	vshrl.u32 v35, $0xB;
	v37 =	vand.u32 $0x1FFC, v51  }
0x118: {  	v35 =	vand.u32 $0x3, v35;
	v37 =	vor.u32 v52, v37  }
0x119: {  	v35 =	vor.u32 v35, v37  }
0x11a: {  	[tilespmem:v50+s13+$0x0] =	vst.idx.msk $0xffff, v35  }
0x11b: {  	v35 =	vld [tilespmem:s17+$0xB0];
	_ =	sdelay $0x4  }
0x11c: {  	[tilespmem:v50+s14+$0x0] =	vst.idx.msk $0xffff, v35  }
0x11d: {  	v35 =	vld [tilespmem:s18+$0xC0];
	_ =	sdelay $0x3  }
0x11e: {  	v53 =	vadd.s32 v30, v34  }
0x11f: {  	v54 =	vshll.u32 v35, $0x2  }
0x120: {  	v55 =	vand.u32 $0xFFFFE000, v35;
	v35 =	vshrl.u32 v35, $0xB;
	v37 =	vand.u32 $0x1FFC, v54  }
0x121: {  	v35 =	vand.u32 $0x3, v35;
	v37 =	vor.u32 v55, v37  }
0x122: {  	v35 =	vor.u32 v35, v37  }
0x123: {  	[tilespmem:v53+s13+$0x0] =	vst.idx.msk $0xffff, v35  }
0x124: {  	v35 =	vld [tilespmem:s17+$0xC0];
	_ =	sdelay $0x4  }
0x125: {  	[tilespmem:v53+s14+$0x0] =	vst.idx.msk $0xffff, v35  }
0x126: {  	v35 =	vld [tilespmem:s18+$0xD0];
	_ =	sdelay $0x3  }
0x127: {  	v56 =	vadd.s32 v31, v34  }
0x128: {  	v57 =	vshll.u32 v35, $0x2  }
0x129: {  	v58 =	vand.u32 $0xFFFFE000, v35;
	v35 =	vshrl.u32 v35, $0xB;
	v37 =	vand.u32 $0x1FFC, v57  }
0x12a: {  	v35 =	vand.u32 $0x3, v35;
	v37 =	vor.u32 v58, v37  }
0x12b: {  	v35 =	vor.u32 v35, v37  }
0x12c: {  	[tilespmem:v56+s13+$0x0] =	vst.idx.msk $0xffff, v35  }
0x12d: {  	v35 =	vld [tilespmem:s17+$0xD0];
	_ =	sdelay $0x4  }
0x12e: {  	[tilespmem:v56+s14+$0x0] =	vst.idx.msk $0xffff, v35  }
0x12f: {  	v35 =	vld [tilespmem:s18+$0xE0];
	_ =	sdelay $0x3  }
0x130: {  	v59 =	vadd.s32 v32, v34  }
0x131: {  	v60 =	vshll.u32 v35, $0x2  }
0x132: {  	v61 =	vand.u32 $0xFFFFE000, v35;
	v35 =	vshrl.u32 v35, $0xB;
	v37 =	vand.u32 $0x1FFC, v60  }
0x133: {  	v35 =	vand.u32 $0x3, v35;
	v37 =	vor.u32 v61, v37  }
0x134: {  	v35 =	vor.u32 v35, v37  }
0x135: {  	[tilespmem:v59+s13+$0x0] =	vst.idx.msk $0xffff, v35  }
0x136: {  	v35 =	vld [tilespmem:s17+$0xE0];
	_ =	sdelay $0x4  }
0x137: {  	[tilespmem:v59+s14+$0x0] =	vst.idx.msk $0xffff, v35  }
0x138: {  	v35 =	vld [tilespmem:s18+$0xF0];
	_ =	sdelay $0x3  }
0x139: {  	v34 =	vadd.s32 v33, v34  }
0x13a: {  	v62 =	vshll.u32 v35, $0x2  }
0x13b: {  	v63 =	vand.u32 $0xFFFFE000, v35;
	v35 =	vshrl.u32 v35, $0xB;
	v36 =	vand.u32 $0x1FFC, v62  }
0x13c: {  	v35 =	vand.u32 $0x3, v35;
	v36 =	vor.u32 v63, v36  }
0x13d: {  	v35 =	vor.u32 v35, v36  }
0x13e: {  	[tilespmem:v34+s13+$0x0] =	vst.idx.msk $0xffff, v35  }
0x13f: {  	p0 =	sne.s32 s16, $0x31;
	v35 =	vld [tilespmem:s17+$0xF0]  }
.Ltmp1:
0x140: {  	_ = 	snop;
	(pc) =	sbr.rel @p0 .LBB2_4-.Ltmp1, $2  }
0x141: {  	_ =	sdelay $0x2  }
0x142: {  	s16 =	sadd.s32 $0x1, s16;
	s18 =	sadd.s32 $0x200, s18;
	s17 =	sadd.s32 $0x200, s17;
	[tilespmem:v34+s14+$0x0] =	vst.idx.msk $0xffff, v35  }
0x143: {  	[hbm4b:s6+s2] =	stream.linear.scatter [tilespmem:s13], [sflag:$0x1], $0x6800, $0x38;
	[tilespmem:$0x19800] =	vst v63  }
0x144: {  	s15 =	sadd.s32 $0x1, s15;
	_ =	swait.ge [sflag:s11], $0x6800  }
0x145: {  	p0 =	sne.s32 s15, s8;
	[sflag:s11] =	ssyncset.done $0x0  }
.Ltmp2:
0x146: {  	[sflag:s11] =	ssyncadd.s32 $0xFFFF9800;
	(pc) =	sbr.rel @p0 .LBB2_1-.Ltmp2, $4  }
0x147: {  	[hbm4b:s7+s2] =	stream.linear.scatter [tilespmem:s14], [sflag:$0x1], $0x6800, $0x38;
	[tilespmem:$0x19800] =	vst v63  }
0x148: {  	_ =	swait.ge [sflag:s11], $0x6800  }
0x149: {  	[sflag:s11] =	ssyncset.done $0x0  }
0x14a: {  	[sflag:s11] =	ssyncadd.s32 $0xFFFF9800  }
0x14b: {  	_ =	sfence.sel $0x180000  }
0x14c: {  	[bflag:$0x0] =	sbarrier.arrive $0xFFFF  }
0x14d: {  	p0 =	sne.s32 s0, $0x0;
	_ =	strace $0x90000047  }
0x14e: {  	s0 =	sadd.s32 @!p0 $0x100000, s1;
	[bflag:$0x2] =	sbarrier.arrive $0xFFFF  }
0x14f: {  	[sflag:s0] =	ssyncadd.tile.s32 @!p0 $0x1;
	_ =	shalt  }
.Lfunc_end2:
_tile_overlayer_lowered:
.L_overlay_start_2:
0x150: {  	(tag) =	ssettag $0x2  }
0x151: {  	s0 =	rddreg [dreg:$0x0];
	s2 =	stileid.u32  }
0x152: {  	s1 =	rddreg [dreg:$0x1];
	p0 =	sne.s32 s2, $0x0  }
0x153: {  	s3 =	rddreg [dreg:$0x2];
	[bflag:$0x3] =	sbarrier.arrive $0xFFFF;
	s2 =	simm.s32 @!p0 $0x1C01  }
0x154: {  	[timem:s3], [sflag:s2] =	dma.local @!p0 [hbm:s0], s1  }
0x155: {  	s0 =	simm.s32 @!p0 $0x1  }
0x156: {  	_ =	swait.ge @!p0 [sflag:s0], s1  }
0x157: {  	s1 =	ssub.s32 @!p0 $0x0, s1;
	[sflag:s0] =	ssyncset.done @!p0 $0x0  }
0x158: {  	[sflag:s0] =	ssyncadd.s32 @!p0 s1  }
0x159: {  	[bflag:$0x3] =	sbarrier.arrive $0xFFFF  }
0x15a: {  	_ =	shalt  }

</sc_bundles>
